<compile_context>
chip_gen: v7x
topology: tpu7x:2x2x1
jax: 0.10.2.dev20260603
libtpu: 0.0.44.dev20260713+nightly
codegen_flags: <defaults>
</compile_context>

<pallas_src>
import functools

import jax
import jax.numpy as jnp
from jax import lax
from jax.experimental import pallas as pl
from jax.experimental.pallas import tpu as pltpu
from jax.experimental.pallas import tpu_sc as plsc

VOCAB = 8192
D = 8192
NIDX = 8192
NW = 32
K = 2
NBUF = 7

_mesh = plsc.VectorSubcoreMesh(core_axis_name="c", subcore_axis_name="s")


def _make_sc_gather(nidx):
    bpw = nidx // NW
    nch = bpw // K
    assert nidx % NW == 0 and bpw % K == 0
    nout = nch // NBUF
    rem = nch - nout * NBUF
    assert nout >= 2 and rem < NBUF

    @functools.partial(
        pl.kernel,
        out_type=jax.ShapeDtypeStruct((nidx, D), jnp.float32),
        mesh=_mesh,
        scratch_types=(
            [pltpu.VMEM((nch, K), jnp.int32)]
            + [pltpu.VMEM((K, D), jnp.float32) for _ in range(NBUF)]
            + [pltpu.SemaphoreType.DMA for _ in range(2 * NBUF)]
        ),
    )
    def _gather_rows(x_hbm, table_hbm, out_hbm, idx_v, *scratch):
        bufs = scratch[:NBUF]
        gsems = scratch[NBUF:2 * NBUF]
        ssems = scratch[2 * NBUF:3 * NBUF]
        wid = lax.axis_index("s") * 2 + lax.axis_index("c")
        base = wid * bpw
        pltpu.sync_copy(x_hbm.at[wid], idx_v)

        def gather(c, b):
            return pltpu.async_copy(
                table_hbm.at[idx_v.at[c]], bufs[b], gsems[b])

        def wait_gather(c, b):
            pltpu.make_async_copy(
                table_hbm.at[idx_v.at[c]], bufs[b], gsems[b]).wait()

        def scatter(c, b):
            return pltpu.async_copy(
                bufs[b], out_hbm.at[pl.ds(base + c * K, K)], ssems[b])

        def wait_scatter(c, b):
            pltpu.make_async_copy(
                bufs[b], out_hbm.at[pl.ds(base + c * K, K)], ssems[b]).wait()

        for b in range(NBUF):
            gather(b, b)

        def body(i, carry):
            c0 = i * NBUF
            for b in range(NBUF):
                c = c0 + b
                wait_gather(c, b)
                scatter(c, b)
            for b in range(NBUF):
                c = c0 + b
                wait_scatter(c, b)
                gather(c + NBUF, b)
            return carry

        lax.fori_loop(0, nout - 1, body, 0)

        c0 = (nout - 1) * NBUF
        for b in range(NBUF):
            c = c0 + b
            wait_gather(c, b)
            scatter(c, b)
        for b in range(rem):
            c = c0 + b
            wait_scatter(c, b)
            gather(c + NBUF, b)
        for b in range(rem):
            c = c0 + NBUF + b
            wait_gather(c, b)
            scatter(c, b)
        for b in range(rem):
            wait_scatter(c0 + NBUF + b, b)
        for b in range(rem, NBUF):
            wait_scatter(c0 + b, b)

    return _gather_rows


_sc_gather = _make_sc_gather(NIDX)


def kernel(x, table):
    xf = x.reshape(NIDX)
    sc_rows = _sc_gather(xf.reshape(NW, -1, K), table)
    return sc_rows.reshape(x.shape[0], x.shape[1], VOCAB)

# --- scband reference (transcript-rebuilt; emitter-appended) ---
"""Pipeline reference for scband-bi-gram-model-86191403696288 (READ-ONLY COPY).

The authoritative reference and input builder live on the scoring server;
editing this copy changes nothing except your own understanding.
"""

import jax, jax.numpy as jnp
import numpy as np

VOCAB = 8192
B, T = 64, 128

def setup_inputs(seed: int = 0) -> dict:
    key = jax.random.key(seed)
    k1, k2 = jax.random.split(key)
    x = jax.random.randint(k1, (B, T), 0, VOCAB, dtype=jnp.int32)
    # learned parameter: nn.Embedding(vocab_size, vocab_size) weight
    table = jax.random.normal(k2, (VOCAB, VOCAB), dtype=jnp.float32) * 0.02
    return {"x": x, "table": table}

def reference(x, table):
    # BiGramModel.forward with y=None: logits = self.embedding(x); return (logits, None)
    # We return the logits array (the None loss is omitted).
    logits = jnp.take(table, x, axis=0)
    return logits

if __name__ == "__main__":
    import jax
    _d = setup_inputs()
    print(jax.jit(kernel)(*tuple(_d.values())))

</pallas_src>

<mosaic_0001>
#map = affine_map<(d0, d1) -> (0, 0, 0)>
#map1 = affine_map<(d0, d1) -> (0, 0)>
module attributes {stable_mosaic.version = 14 : i64} {
  func.func @_gather_rows(%arg0: i32, %arg1: i32, %arg2: memref<32x128x2xi32, #tpu.memory_space<hbm>>, %arg3: memref<8192x8192xf32, #tpu.memory_space<hbm>>, %arg4: memref<8192x8192xf32, #tpu.memory_space<hbm>>, %arg5: memref<128x2xi32, #tpu.memory_space<vmem>>, %arg6: memref<2x8192xf32, #tpu.memory_space<vmem>>, %arg7: memref<2x8192xf32, #tpu.memory_space<vmem>>, %arg8: memref<2x8192xf32, #tpu.memory_space<vmem>>, %arg9: memref<2x8192xf32, #tpu.memory_space<vmem>>, %arg10: memref<2x8192xf32, #tpu.memory_space<vmem>>, %arg11: memref<2x8192xf32, #tpu.memory_space<vmem>>, %arg12: memref<2x8192xf32, #tpu.memory_space<vmem>>, %arg13: memref<!tpu.dma_semaphore, #tpu.memory_space<semaphore_mem>>, %arg14: memref<!tpu.dma_semaphore, #tpu.memory_space<semaphore_mem>>, %arg15: memref<!tpu.dma_semaphore, #tpu.memory_space<semaphore_mem>>, %arg16: memref<!tpu.dma_semaphore, #tpu.memory_space<semaphore_mem>>, %arg17: memref<!tpu.dma_semaphore, #tpu.memory_space<semaphore_mem>>, %arg18: memref<!tpu.dma_semaphore, #tpu.memory_space<semaphore_mem>>, %arg19: memref<!tpu.dma_semaphore, #tpu.memory_space<semaphore_mem>>, %arg20: memref<!tpu.dma_semaphore, #tpu.memory_space<semaphore_mem>>, %arg21: memref<!tpu.dma_semaphore, #tpu.memory_space<semaphore_mem>>, %arg22: memref<!tpu.dma_semaphore, #tpu.memory_space<semaphore_mem>>, %arg23: memref<!tpu.dma_semaphore, #tpu.memory_space<semaphore_mem>>, %arg24: memref<!tpu.dma_semaphore, #tpu.memory_space<semaphore_mem>>, %arg25: memref<!tpu.dma_semaphore, #tpu.memory_space<semaphore_mem>>, %arg26: memref<!tpu.dma_semaphore, #tpu.memory_space<semaphore_mem>>) attributes {dimension_semantics = [#tpu.dimension_semantics<core_parallel>, #tpu.dimension_semantics<subcore_parallel>], iteration_bounds = array<i64: 2, 16>, scalar_prefetch = 0 : i64, scratch_operands = 22 : i64, tpu.core_type = #tpu.core_type<sc_vector_subcore>, window_params = [{transform_indices = #map}, {transform_indices = #map1}, {transform_indices = #map1}]} {
    %mul3A = arith.constant 2 : i32
    %mul3A_0 = arith.muli %arg1, %mul3A : i32
    %add3A = arith.addi %mul3A_0, %arg0 : i32
    %mul3A_1 = arith.constant 256 : i32
    %mul3A_2 = arith.muli %add3A, %mul3A_1 : i32
    "tpu.region"() ({
      %run_scoped3A = tpu.sem_alloc : memref<!tpu.dma_semaphore, #tpu.memory_space<semaphore_mem>>
      %dma_start3A_240 = arith.constant 0 : i32
      %dma_start3A_241 = arith.constant 0 : i32
      %dma_start3A_242 = tpu.memref_slice %arg2[%add3A, %dma_start3A_240, %dma_start3A_241] : memref<32x128x2xi32, #tpu.memory_space<hbm>> -> memref<1x128x2xi32, #tpu.memory_space<hbm>>
      %dma_start3A_243 = tpu.memref_squeeze %dma_start3A_242 : memref<1x128x2xi32, #tpu.memory_space<hbm>> -> memref<128x2xi32, #tpu.memory_space<hbm>>
      %dma_start3A_244 = arith.constant 0 : i32
      %dma_start3A_245 = arith.constant 0 : i32
      %dma_start3A_246 = tpu.memref_slice %arg2[%add3A, %dma_start3A_244, %dma_start3A_245] : memref<32x128x2xi32, #tpu.memory_space<hbm>> -> memref<1x128x2xi32, #tpu.memory_space<hbm>>
      %dma_start3A_247 = tpu.memref_squeeze %dma_start3A_246 : memref<1x128x2xi32, #tpu.memory_space<hbm>> -> memref<128x2xi32, #tpu.memory_space<hbm>>
      tpu.enqueue_dma source(%dma_start3A_247 : memref<128x2xi32, #tpu.memory_space<hbm>>) target(%arg5 : memref<128x2xi32, #tpu.memory_space<vmem>>) target_semaphore(%run_scoped3A : memref<!tpu.dma_semaphore, #tpu.memory_space<semaphore_mem>>)
      %dma_wait3A_248 = arith.constant 0 : i32
      %dma_wait3A_249 = arith.constant 0 : i32
      %dma_wait3A_250 = tpu.memref_slice %arg2[%add3A, %dma_wait3A_248, %dma_wait3A_249] : memref<32x128x2xi32, #tpu.memory_space<hbm>> -> memref<1x128x2xi32, #tpu.memory_space<hbm>>
      %dma_wait3A_251 = tpu.memref_squeeze %dma_wait3A_250 : memref<1x128x2xi32, #tpu.memory_space<hbm>> -> memref<128x2xi32, #tpu.memory_space<hbm>>
      %dma_wait3A_252 = arith.constant 0 : i32
      %dma_wait3A_253 = arith.constant 0 : i32
      %dma_wait3A_254 = tpu.memref_slice %arg2[%add3A, %dma_wait3A_252, %dma_wait3A_253] : memref<32x128x2xi32, #tpu.memory_space<hbm>> -> memref<1x128x2xi32, #tpu.memory_space<hbm>>
      %dma_wait3A_255 = tpu.memref_squeeze %dma_wait3A_254 : memref<1x128x2xi32, #tpu.memory_space<hbm>> -> memref<128x2xi32, #tpu.memory_space<hbm>>
      tpu.wait_dma2 semaphore(%run_scoped3A : memref<!tpu.dma_semaphore, #tpu.memory_space<semaphore_mem>>) src(%dma_wait3A_255 : memref<128x2xi32, #tpu.memory_space<hbm>>) dst(%arg5 : memref<128x2xi32, #tpu.memory_space<vmem>>)
      tpu.yield
    }) : () -> ()
    %dma_start3A = arith.constant 0 : i32
    %dma_start3A_3 = arith.constant 0 : i32
    %dma_start3A_4 = tpu.memref_slice %arg5[%dma_start3A, %dma_start3A_3] : memref<128x2xi32, #tpu.memory_space<vmem>> -> memref<1x2xi32, #tpu.memory_space<vmem>>
    %dma_start3A_5 = tpu.memref_squeeze %dma_start3A_4 : memref<1x2xi32, #tpu.memory_space<vmem>> -> memref<2xi32, #tpu.memory_space<vmem>>
    %dma_start3A_6 = arith.constant 0 : i32
    %dma_start3A_7 = arith.constant 0 : i32
    %dma_start3A_8 = tpu.memref_slice %arg3[%dma_start3A_6, %dma_start3A_7] : memref<8192x8192xf32, #tpu.memory_space<hbm>> -> memref<8192x8192xf32, #tpu.memory_space<hbm>>
    tpu.enqueue_indirect_dma source(%dma_start3A_8 : memref<8192x8192xf32, #tpu.memory_space<hbm>>) target(%arg6 : memref<2x8192xf32, #tpu.memory_space<vmem>>) offsets(%dma_start3A_5 : memref<2xi32, #tpu.memory_space<vmem>>) semaphore(%arg13 : memref<!tpu.dma_semaphore, #tpu.memory_space<semaphore_mem>>)
    %dma_start3A_9 = arith.constant 1 : i32
    %dma_start3A_10 = arith.constant 0 : i32
    %dma_start3A_11 = tpu.memref_slice %arg5[%dma_start3A_9, %dma_start3A_10] : memref<128x2xi32, #tpu.memory_space<vmem>> -> memref<1x2xi32, #tpu.memory_space<vmem>>
    %dma_start3A_12 = tpu.memref_squeeze %dma_start3A_11 : memref<1x2xi32, #tpu.memory_space<vmem>> -> memref<2xi32, #tpu.memory_space<vmem>>
    %dma_start3A_13 = arith.constant 0 : i32
    %dma_start3A_14 = arith.constant 0 : i32
    %dma_start3A_15 = tpu.memref_slice %arg3[%dma_start3A_13, %dma_start3A_14] : memref<8192x8192xf32, #tpu.memory_space<hbm>> -> memref<8192x8192xf32, #tpu.memory_space<hbm>>
    tpu.enqueue_indirect_dma source(%dma_start3A_15 : memref<8192x8192xf32, #tpu.memory_space<hbm>>) target(%arg7 : memref<2x8192xf32, #tpu.memory_space<vmem>>) offsets(%dma_start3A_12 : memref<2xi32, #tpu.memory_space<vmem>>) semaphore(%arg14 : memref<!tpu.dma_semaphore, #tpu.memory_space<semaphore_mem>>)
    %dma_start3A_16 = arith.constant 2 : i32
    %dma_start3A_17 = arith.constant 0 : i32
    %dma_start3A_18 = tpu.memref_slice %arg5[%dma_start3A_16, %dma_start3A_17] : memref<128x2xi32, #tpu.memory_space<vmem>> -> memref<1x2xi32, #tpu.memory_space<vmem>>
    %dma_start3A_19 = tpu.memref_squeeze %dma_start3A_18 : memref<1x2xi32, #tpu.memory_space<vmem>> -> memref<2xi32, #tpu.memory_space<vmem>>
    %dma_start3A_20 = arith.constant 0 : i32
    %dma_start3A_21 = arith.constant 0 : i32
    %dma_start3A_22 = tpu.memref_slice %arg3[%dma_start3A_20, %dma_start3A_21] : memref<8192x8192xf32, #tpu.memory_space<hbm>> -> memref<8192x8192xf32, #tpu.memory_space<hbm>>
    tpu.enqueue_indirect_dma source(%dma_start3A_22 : memref<8192x8192xf32, #tpu.memory_space<hbm>>) target(%arg8 : memref<2x8192xf32, #tpu.memory_space<vmem>>) offsets(%dma_start3A_19 : memref<2xi32, #tpu.memory_space<vmem>>) semaphore(%arg15 : memref<!tpu.dma_semaphore, #tpu.memory_space<semaphore_mem>>)
    %dma_start3A_23 = arith.constant 3 : i32
    %dma_start3A_24 = arith.constant 0 : i32
    %dma_start3A_25 = tpu.memref_slice %arg5[%dma_start3A_23, %dma_start3A_24] : memref<128x2xi32, #tpu.memory_space<vmem>> -> memref<1x2xi32, #tpu.memory_space<vmem>>
    %dma_start3A_26 = tpu.memref_squeeze %dma_start3A_25 : memref<1x2xi32, #tpu.memory_space<vmem>> -> memref<2xi32, #tpu.memory_space<vmem>>
    %dma_start3A_27 = arith.constant 0 : i32
    %dma_start3A_28 = arith.constant 0 : i32
    %dma_start3A_29 = tpu.memref_slice %arg3[%dma_start3A_27, %dma_start3A_28] : memref<8192x8192xf32, #tpu.memory_space<hbm>> -> memref<8192x8192xf32, #tpu.memory_space<hbm>>
    tpu.enqueue_indirect_dma source(%dma_start3A_29 : memref<8192x8192xf32, #tpu.memory_space<hbm>>) target(%arg9 : memref<2x8192xf32, #tpu.memory_space<vmem>>) offsets(%dma_start3A_26 : memref<2xi32, #tpu.memory_space<vmem>>) semaphore(%arg16 : memref<!tpu.dma_semaphore, #tpu.memory_space<semaphore_mem>>)
    %dma_start3A_30 = arith.constant 4 : i32
    %dma_start3A_31 = arith.constant 0 : i32
    %dma_start3A_32 = tpu.memref_slice %arg5[%dma_start3A_30, %dma_start3A_31] : memref<128x2xi32, #tpu.memory_space<vmem>> -> memref<1x2xi32, #tpu.memory_space<vmem>>
    %dma_start3A_33 = tpu.memref_squeeze %dma_start3A_32 : memref<1x2xi32, #tpu.memory_space<vmem>> -> memref<2xi32, #tpu.memory_space<vmem>>
    %dma_start3A_34 = arith.constant 0 : i32
    %dma_start3A_35 = arith.constant 0 : i32
    %dma_start3A_36 = tpu.memref_slice %arg3[%dma_start3A_34, %dma_start3A_35] : memref<8192x8192xf32, #tpu.memory_space<hbm>> -> memref<8192x8192xf32, #tpu.memory_space<hbm>>
    tpu.enqueue_indirect_dma source(%dma_start3A_36 : memref<8192x8192xf32, #tpu.memory_space<hbm>>) target(%arg10 : memref<2x8192xf32, #tpu.memory_space<vmem>>) offsets(%dma_start3A_33 : memref<2xi32, #tpu.memory_space<vmem>>) semaphore(%arg17 : memref<!tpu.dma_semaphore, #tpu.memory_space<semaphore_mem>>)
    %dma_start3A_37 = arith.constant 5 : i32
    %dma_start3A_38 = arith.constant 0 : i32
    %dma_start3A_39 = tpu.memref_slice %arg5[%dma_start3A_37, %dma_start3A_38] : memref<128x2xi32, #tpu.memory_space<vmem>> -> memref<1x2xi32, #tpu.memory_space<vmem>>
    %dma_start3A_40 = tpu.memref_squeeze %dma_start3A_39 : memref<1x2xi32, #tpu.memory_space<vmem>> -> memref<2xi32, #tpu.memory_space<vmem>>
    %dma_start3A_41 = arith.constant 0 : i32
    %dma_start3A_42 = arith.constant 0 : i32
    %dma_start3A_43 = tpu.memref_slice %arg3[%dma_start3A_41, %dma_start3A_42] : memref<8192x8192xf32, #tpu.memory_space<hbm>> -> memref<8192x8192xf32, #tpu.memory_space<hbm>>
    tpu.enqueue_indirect_dma source(%dma_start3A_43 : memref<8192x8192xf32, #tpu.memory_space<hbm>>) target(%arg11 : memref<2x8192xf32, #tpu.memory_space<vmem>>) offsets(%dma_start3A_40 : memref<2xi32, #tpu.memory_space<vmem>>) semaphore(%arg18 : memref<!tpu.dma_semaphore, #tpu.memory_space<semaphore_mem>>)
    %dma_start3A_44 = arith.constant 6 : i32
    %dma_start3A_45 = arith.constant 0 : i32
    %dma_start3A_46 = tpu.memref_slice %arg5[%dma_start3A_44, %dma_start3A_45] : memref<128x2xi32, #tpu.memory_space<vmem>> -> memref<1x2xi32, #tpu.memory_space<vmem>>
    %dma_start3A_47 = tpu.memref_squeeze %dma_start3A_46 : memref<1x2xi32, #tpu.memory_space<vmem>> -> memref<2xi32, #tpu.memory_space<vmem>>
    %dma_start3A_48 = arith.constant 0 : i32
    %dma_start3A_49 = arith.constant 0 : i32
    %dma_start3A_50 = tpu.memref_slice %arg3[%dma_start3A_48, %dma_start3A_49] : memref<8192x8192xf32, #tpu.memory_space<hbm>> -> memref<8192x8192xf32, #tpu.memory_space<hbm>>
    tpu.enqueue_indirect_dma source(%dma_start3A_50 : memref<8192x8192xf32, #tpu.memory_space<hbm>>) target(%arg12 : memref<2x8192xf32, #tpu.memory_space<vmem>>) offsets(%dma_start3A_47 : memref<2xi32, #tpu.memory_space<vmem>>) semaphore(%arg19 : memref<!tpu.dma_semaphore, #tpu.memory_space<semaphore_mem>>)
    %scan3A = arith.constant 0 : i32
    %scan3A_51 = arith.constant 0 : i32
    %scan3A_52 = arith.constant 17 : i32
    %scan3A_53 = arith.addi %scan3A_51, %scan3A_52 : i32
    %scan3A_54 = arith.constant 1 : i32
    scf.for %scan3A_240 = %scan3A_51 to %scan3A_53 step %scan3A_54  : i32 {
      %mul3A_241 = arith.constant 7 : i32
      %mul3A_242 = arith.muli %scan3A_240, %mul3A_241 : i32
      %add3A_243 = arith.constant 0 : i32
      %add3A_244 = arith.addi %mul3A_242, %add3A_243 : i32
      %dma_wait3A_245 = arith.constant 0 : i32
      %dma_wait3A_246 = tpu.memref_slice %arg5[%add3A_244, %dma_wait3A_245] : memref<128x2xi32, #tpu.memory_space<vmem>> -> memref<1x2xi32, #tpu.memory_space<vmem>>
      %dma_wait3A_247 = tpu.memref_squeeze %dma_wait3A_246 : memref<1x2xi32, #tpu.memory_space<vmem>> -> memref<2xi32, #tpu.memory_space<vmem>>
      %dma_wait3A_248 = arith.constant 0 : i32
      %dma_wait3A_249 = arith.constant 0 : i32
      %dma_wait3A_250 = tpu.memref_slice %arg3[%dma_wait3A_248, %dma_wait3A_249] : memref<8192x8192xf32, #tpu.memory_space<hbm>> -> memref<8192x8192xf32, #tpu.memory_space<hbm>>
      tpu.wait_indirect_dma semaphore(%arg13 : memref<!tpu.dma_semaphore, #tpu.memory_space<semaphore_mem>>) src(%dma_wait3A_250 : memref<8192x8192xf32, #tpu.memory_space<hbm>>) dst(%arg6 : memref<2x8192xf32, #tpu.memory_space<vmem>>)
      %mul3A_251 = arith.constant 2 : i32
      %mul3A_252 = arith.muli %add3A_244, %mul3A_251 : i32
      %add3A_253 = arith.addi %mul3A_2, %mul3A_252 : i32
      %dma_start3A_254 = arith.constant 0 : i32
      %dma_start3A_255 = tpu.memref_slice %arg4[%add3A_253, %dma_start3A_254] : memref<8192x8192xf32, #tpu.memory_space<hbm>> -> memref<2x8192xf32, #tpu.memory_space<hbm>>
      %dma_start3A_256 = arith.constant 0 : i32
      %dma_start3A_257 = tpu.memref_slice %arg4[%add3A_253, %dma_start3A_256] : memref<8192x8192xf32, #tpu.memory_space<hbm>> -> memref<2x8192xf32, #tpu.memory_space<hbm>>
      tpu.enqueue_dma source(%arg6 : memref<2x8192xf32, #tpu.memory_space<vmem>>) target(%dma_start3A_257 : memref<2x8192xf32, #tpu.memory_space<hbm>>) target_semaphore(%arg20 : memref<!tpu.dma_semaphore, #tpu.memory_space<semaphore_mem>>)
      %add3A_258 = arith.constant 1 : i32
      %add3A_259 = arith.addi %mul3A_242, %add3A_258 : i32
      %dma_wait3A_260 = arith.constant 0 : i32
      %dma_wait3A_261 = tpu.memref_slice %arg5[%add3A_259, %dma_wait3A_260] : memref<128x2xi32, #tpu.memory_space<vmem>> -> memref<1x2xi32, #tpu.memory_space<vmem>>
      %dma_wait3A_262 = tpu.memref_squeeze %dma_wait3A_261 : memref<1x2xi32, #tpu.memory_space<vmem>> -> memref<2xi32, #tpu.memory_space<vmem>>
      %dma_wait3A_263 = arith.constant 0 : i32
      %dma_wait3A_264 = arith.constant 0 : i32
      %dma_wait3A_265 = tpu.memref_slice %arg3[%dma_wait3A_263, %dma_wait3A_264] : memref<8192x8192xf32, #tpu.memory_space<hbm>> -> memref<8192x8192xf32, #tpu.memory_space<hbm>>
      tpu.wait_indirect_dma semaphore(%arg14 : memref<!tpu.dma_semaphore, #tpu.memory_space<semaphore_mem>>) src(%dma_wait3A_265 : memref<8192x8192xf32, #tpu.memory_space<hbm>>) dst(%arg7 : memref<2x8192xf32, #tpu.memory_space<vmem>>)
      %mul3A_266 = arith.constant 2 : i32
      %mul3A_267 = arith.muli %add3A_259, %mul3A_266 : i32
      %add3A_268 = arith.addi %mul3A_2, %mul3A_267 : i32
      %dma_start3A_269 = arith.constant 0 : i32
      %dma_start3A_270 = tpu.memref_slice %arg4[%add3A_268, %dma_start3A_269] : memref<8192x8192xf32, #tpu.memory_space<hbm>> -> memref<2x8192xf32, #tpu.memory_space<hbm>>
      %dma_start3A_271 = arith.constant 0 : i32
      %dma_start3A_272 = tpu.memref_slice %arg4[%add3A_268, %dma_start3A_271] : memref<8192x8192xf32, #tpu.memory_space<hbm>> -> memref<2x8192xf32, #tpu.memory_space<hbm>>
      tpu.enqueue_dma source(%arg7 : memref<2x8192xf32, #tpu.memory_space<vmem>>) target(%dma_start3A_272 : memref<2x8192xf32, #tpu.memory_space<hbm>>) target_semaphore(%arg21 : memref<!tpu.dma_semaphore, #tpu.memory_space<semaphore_mem>>)
      %add3A_273 = arith.constant 2 : i32
      %add3A_274 = arith.addi %mul3A_242, %add3A_273 : i32
      %dma_wait3A_275 = arith.constant 0 : i32
      %dma_wait3A_276 = tpu.memref_slice %arg5[%add3A_274, %dma_wait3A_275] : memref<128x2xi32, #tpu.memory_space<vmem>> -> memref<1x2xi32, #tpu.memory_space<vmem>>
      %dma_wait3A_277 = tpu.memref_squeeze %dma_wait3A_276 : memref<1x2xi32, #tpu.memory_space<vmem>> -> memref<2xi32, #tpu.memory_space<vmem>>
      %dma_wait3A_278 = arith.constant 0 : i32
      %dma_wait3A_279 = arith.constant 0 : i32
      %dma_wait3A_280 = tpu.memref_slice %arg3[%dma_wait3A_278, %dma_wait3A_279] : memref<8192x8192xf32, #tpu.memory_space<hbm>> -> memref<8192x8192xf32, #tpu.memory_space<hbm>>
      tpu.wait_indirect_dma semaphore(%arg15 : memref<!tpu.dma_semaphore, #tpu.memory_space<semaphore_mem>>) src(%dma_wait3A_280 : memref<8192x8192xf32, #tpu.memory_space<hbm>>) dst(%arg8 : memref<2x8192xf32, #tpu.memory_space<vmem>>)
      %mul3A_281 = arith.constant 2 : i32
      %mul3A_282 = arith.muli %add3A_274, %mul3A_281 : i32
      %add3A_283 = arith.addi %mul3A_2, %mul3A_282 : i32
      %dma_start3A_284 = arith.constant 0 : i32
      %dma_start3A_285 = tpu.memref_slice %arg4[%add3A_283, %dma_start3A_284] : memref<8192x8192xf32, #tpu.memory_space<hbm>> -> memref<2x8192xf32, #tpu.memory_space<hbm>>
      %dma_start3A_286 = arith.constant 0 : i32
      %dma_start3A_287 = tpu.memref_slice %arg4[%add3A_283, %dma_start3A_286] : memref<8192x8192xf32, #tpu.memory_space<hbm>> -> memref<2x8192xf32, #tpu.memory_space<hbm>>
      tpu.enqueue_dma source(%arg8 : memref<2x8192xf32, #tpu.memory_space<vmem>>) target(%dma_start3A_287 : memref<2x8192xf32, #tpu.memory_space<hbm>>) target_semaphore(%arg22 : memref<!tpu.dma_semaphore, #tpu.memory_space<semaphore_mem>>)
      %add3A_288 = arith.constant 3 : i32
      %add3A_289 = arith.addi %mul3A_242, %add3A_288 : i32
      %dma_wait3A_290 = arith.constant 0 : i32
      %dma_wait3A_291 = tpu.memref_slice %arg5[%add3A_289, %dma_wait3A_290] : memref<128x2xi32, #tpu.memory_space<vmem>> -> memref<1x2xi32, #tpu.memory_space<vmem>>
      %dma_wait3A_292 = tpu.memref_squeeze %dma_wait3A_291 : memref<1x2xi32, #tpu.memory_space<vmem>> -> memref<2xi32, #tpu.memory_space<vmem>>
      %dma_wait3A_293 = arith.constant 0 : i32
      %dma_wait3A_294 = arith.constant 0 : i32
      %dma_wait3A_295 = tpu.memref_slice %arg3[%dma_wait3A_293, %dma_wait3A_294] : memref<8192x8192xf32, #tpu.memory_space<hbm>> -> memref<8192x8192xf32, #tpu.memory_space<hbm>>
      tpu.wait_indirect_dma semaphore(%arg16 : memref<!tpu.dma_semaphore, #tpu.memory_space<semaphore_mem>>) src(%dma_wait3A_295 : memref<8192x8192xf32, #tpu.memory_space<hbm>>) dst(%arg9 : memref<2x8192xf32, #tpu.memory_space<vmem>>)
      %mul3A_296 = arith.constant 2 : i32
      %mul3A_297 = arith.muli %add3A_289, %mul3A_296 : i32
      %add3A_298 = arith.addi %mul3A_2, %mul3A_297 : i32
      %dma_start3A_299 = arith.constant 0 : i32
      %dma_start3A_300 = tpu.memref_slice %arg4[%add3A_298, %dma_start3A_299] : memref<8192x8192xf32, #tpu.memory_space<hbm>> -> memref<2x8192xf32, #tpu.memory_space<hbm>>
      %dma_start3A_301 = arith.constant 0 : i32
      %dma_start3A_302 = tpu.memref_slice %arg4[%add3A_298, %dma_start3A_301] : memref<8192x8192xf32, #tpu.memory_space<hbm>> -> memref<2x8192xf32, #tpu.memory_space<hbm>>
      tpu.enqueue_dma source(%arg9 : memref<2x8192xf32, #tpu.memory_space<vmem>>) target(%dma_start3A_302 : memref<2x8192xf32, #tpu.memory_space<hbm>>) target_semaphore(%arg23 : memref<!tpu.dma_semaphore, #tpu.memory_space<semaphore_mem>>)
      %add3A_303 = arith.constant 4 : i32
      %add3A_304 = arith.addi %mul3A_242, %add3A_303 : i32
      %dma_wait3A_305 = arith.constant 0 : i32
      %dma_wait3A_306 = tpu.memref_slice %arg5[%add3A_304, %dma_wait3A_305] : memref<128x2xi32, #tpu.memory_space<vmem>> -> memref<1x2xi32, #tpu.memory_space<vmem>>
      %dma_wait3A_307 = tpu.memref_squeeze %dma_wait3A_306 : memref<1x2xi32, #tpu.memory_space<vmem>> -> memref<2xi32, #tpu.memory_space<vmem>>
      %dma_wait3A_308 = arith.constant 0 : i32
      %dma_wait3A_309 = arith.constant 0 : i32
      %dma_wait3A_310 = tpu.memref_slice %arg3[%dma_wait3A_308, %dma_wait3A_309] : memref<8192x8192xf32, #tpu.memory_space<hbm>> -> memref<8192x8192xf32, #tpu.memory_space<hbm>>
      tpu.wait_indirect_dma semaphore(%arg17 : memref<!tpu.dma_semaphore, #tpu.memory_space<semaphore_mem>>) src(%dma_wait3A_310 : memref<8192x8192xf32, #tpu.memory_space<hbm>>) dst(%arg10 : memref<2x8192xf32, #tpu.memory_space<vmem>>)
      %mul3A_311 = arith.constant 2 : i32
      %mul3A_312 = arith.muli %add3A_304, %mul3A_311 : i32
      %add3A_313 = arith.addi %mul3A_2, %mul3A_312 : i32
      %dma_start3A_314 = arith.constant 0 : i32
      %dma_start3A_315 = tpu.memref_slice %arg4[%add3A_313, %dma_start3A_314] : memref<8192x8192xf32, #tpu.memory_space<hbm>> -> memref<2x8192xf32, #tpu.memory_space<hbm>>
      %dma_start3A_316 = arith.constant 0 : i32
      %dma_start3A_317 = tpu.memref_slice %arg4[%add3A_313, %dma_start3A_316] : memref<8192x8192xf32, #tpu.memory_space<hbm>> -> memref<2x8192xf32, #tpu.memory_space<hbm>>
      tpu.enqueue_dma source(%arg10 : memref<2x8192xf32, #tpu.memory_space<vmem>>) target(%dma_start3A_317 : memref<2x8192xf32, #tpu.memory_space<hbm>>) target_semaphore(%arg24 : memref<!tpu.dma_semaphore, #tpu.memory_space<semaphore_mem>>)
      %add3A_318 = arith.constant 5 : i32
      %add3A_319 = arith.addi %mul3A_242, %add3A_318 : i32
      %dma_wait3A_320 = arith.constant 0 : i32
      %dma_wait3A_321 = tpu.memref_slice %arg5[%add3A_319, %dma_wait3A_320] : memref<128x2xi32, #tpu.memory_space<vmem>> -> memref<1x2xi32, #tpu.memory_space<vmem>>
      %dma_wait3A_322 = tpu.memref_squeeze %dma_wait3A_321 : memref<1x2xi32, #tpu.memory_space<vmem>> -> memref<2xi32, #tpu.memory_space<vmem>>
      %dma_wait3A_323 = arith.constant 0 : i32
      %dma_wait3A_324 = arith.constant 0 : i32
      %dma_wait3A_325 = tpu.memref_slice %arg3[%dma_wait3A_323, %dma_wait3A_324] : memref<8192x8192xf32, #tpu.memory_space<hbm>> -> memref<8192x8192xf32, #tpu.memory_space<hbm>>
      tpu.wait_indirect_dma semaphore(%arg18 : memref<!tpu.dma_semaphore, #tpu.memory_space<semaphore_mem>>) src(%dma_wait3A_325 : memref<8192x8192xf32, #tpu.memory_space<hbm>>) dst(%arg11 : memref<2x8192xf32, #tpu.memory_space<vmem>>)
      %mul3A_326 = arith.constant 2 : i32
      %mul3A_327 = arith.muli %add3A_319, %mul3A_326 : i32
      %add3A_328 = arith.addi %mul3A_2, %mul3A_327 : i32
      %dma_start3A_329 = arith.constant 0 : i32
      %dma_start3A_330 = tpu.memref_slice %arg4[%add3A_328, %dma_start3A_329] : memref<8192x8192xf32, #tpu.memory_space<hbm>> -> memref<2x8192xf32, #tpu.memory_space<hbm>>
      %dma_start3A_331 = arith.constant 0 : i32
      %dma_start3A_332 = tpu.memref_slice %arg4[%add3A_328, %dma_start3A_331] : memref<8192x8192xf32, #tpu.memory_space<hbm>> -> memref<2x8192xf32, #tpu.memory_space<hbm>>
      tpu.enqueue_dma source(%arg11 : memref<2x8192xf32, #tpu.memory_space<vmem>>) target(%dma_start3A_332 : memref<2x8192xf32, #tpu.memory_space<hbm>>) target_semaphore(%arg25 : memref<!tpu.dma_semaphore, #tpu.memory_space<semaphore_mem>>)
      %add3A_333 = arith.constant 6 : i32
      %add3A_334 = arith.addi %mul3A_242, %add3A_333 : i32
      %dma_wait3A_335 = arith.constant 0 : i32
      %dma_wait3A_336 = tpu.memref_slice %arg5[%add3A_334, %dma_wait3A_335] : memref<128x2xi32, #tpu.memory_space<vmem>> -> memref<1x2xi32, #tpu.memory_space<vmem>>
      %dma_wait3A_337 = tpu.memref_squeeze %dma_wait3A_336 : memref<1x2xi32, #tpu.memory_space<vmem>> -> memref<2xi32, #tpu.memory_space<vmem>>
      %dma_wait3A_338 = arith.constant 0 : i32
      %dma_wait3A_339 = arith.constant 0 : i32
      %dma_wait3A_340 = tpu.memref_slice %arg3[%dma_wait3A_338, %dma_wait3A_339] : memref<8192x8192xf32, #tpu.memory_space<hbm>> -> memref<8192x8192xf32, #tpu.memory_space<hbm>>
      tpu.wait_indirect_dma semaphore(%arg19 : memref<!tpu.dma_semaphore, #tpu.memory_space<semaphore_mem>>) src(%dma_wait3A_340 : memref<8192x8192xf32, #tpu.memory_space<hbm>>) dst(%arg12 : memref<2x8192xf32, #tpu.memory_space<vmem>>)
      %mul3A_341 = arith.constant 2 : i32
      %mul3A_342 = arith.muli %add3A_334, %mul3A_341 : i32
      %add3A_343 = arith.addi %mul3A_2, %mul3A_342 : i32
      %dma_start3A_344 = arith.constant 0 : i32
      %dma_start3A_345 = tpu.memref_slice %arg4[%add3A_343, %dma_start3A_344] : memref<8192x8192xf32, #tpu.memory_space<hbm>> -> memref<2x8192xf32, #tpu.memory_space<hbm>>
      %dma_start3A_346 = arith.constant 0 : i32
      %dma_start3A_347 = tpu.memref_slice %arg4[%add3A_343, %dma_start3A_346] : memref<8192x8192xf32, #tpu.memory_space<hbm>> -> memref<2x8192xf32, #tpu.memory_space<hbm>>
      tpu.enqueue_dma source(%arg12 : memref<2x8192xf32, #tpu.memory_space<vmem>>) target(%dma_start3A_347 : memref<2x8192xf32, #tpu.memory_space<hbm>>) target_semaphore(%arg26 : memref<!tpu.dma_semaphore, #tpu.memory_space<semaphore_mem>>)
      %add3A_348 = arith.constant 0 : i32
      %add3A_349 = arith.addi %mul3A_242, %add3A_348 : i32
      %mul3A_350 = arith.constant 2 : i32
      %mul3A_351 = arith.muli %add3A_349, %mul3A_350 : i32
      %add3A_352 = arith.addi %mul3A_2, %mul3A_351 : i32
      %dma_wait3A_353 = arith.constant 0 : i32
      %dma_wait3A_354 = tpu.memref_slice %arg4[%add3A_352, %dma_wait3A_353] : memref<8192x8192xf32, #tpu.memory_space<hbm>> -> memref<2x8192xf32, #tpu.memory_space<hbm>>
      %dma_wait3A_355 = arith.constant 0 : i32
      %dma_wait3A_356 = tpu.memref_slice %arg4[%add3A_352, %dma_wait3A_355] : memref<8192x8192xf32, #tpu.memory_space<hbm>> -> memref<2x8192xf32, #tpu.memory_space<hbm>>
      tpu.wait_dma2 semaphore(%arg20 : memref<!tpu.dma_semaphore, #tpu.memory_space<semaphore_mem>>) src(%arg6 : memref<2x8192xf32, #tpu.memory_space<vmem>>) dst(%dma_wait3A_356 : memref<2x8192xf32, #tpu.memory_space<hbm>>)
      %add3A_357 = arith.constant 7 : i32
      %add3A_358 = arith.addi %add3A_349, %add3A_357 : i32
      %dma_start3A_359 = arith.constant 0 : i32
      %dma_start3A_360 = tpu.memref_slice %arg5[%add3A_358, %dma_start3A_359] : memref<128x2xi32, #tpu.memory_space<vmem>> -> memref<1x2xi32, #tpu.memory_space<vmem>>
      %dma_start3A_361 = tpu.memref_squeeze %dma_start3A_360 : memref<1x2xi32, #tpu.memory_space<vmem>> -> memref<2xi32, #tpu.memory_space<vmem>>
      %dma_start3A_362 = arith.constant 0 : i32
      %dma_start3A_363 = arith.constant 0 : i32
      %dma_start3A_364 = tpu.memref_slice %arg3[%dma_start3A_362, %dma_start3A_363] : memref<8192x8192xf32, #tpu.memory_space<hbm>> -> memref<8192x8192xf32, #tpu.memory_space<hbm>>
      tpu.enqueue_indirect_dma source(%dma_start3A_364 : memref<8192x8192xf32, #tpu.memory_space<hbm>>) target(%arg6 : memref<2x8192xf32, #tpu.memory_space<vmem>>) offsets(%dma_start3A_361 : memref<2xi32, #tpu.memory_space<vmem>>) semaphore(%arg13 : memref<!tpu.dma_semaphore, #tpu.memory_space<semaphore_mem>>)
      %add3A_365 = arith.constant 1 : i32
      %add3A_366 = arith.addi %mul3A_242, %add3A_365 : i32
      %mul3A_367 = arith.constant 2 : i32
      %mul3A_368 = arith.muli %add3A_366, %mul3A_367 : i32
      %add3A_369 = arith.addi %mul3A_2, %mul3A_368 : i32
      %dma_wait3A_370 = arith.constant 0 : i32
      %dma_wait3A_371 = tpu.memref_slice %arg4[%add3A_369, %dma_wait3A_370] : memref<8192x8192xf32, #tpu.memory_space<hbm>> -> memref<2x8192xf32, #tpu.memory_space<hbm>>
      %dma_wait3A_372 = arith.constant 0 : i32
      %dma_wait3A_373 = tpu.memref_slice %arg4[%add3A_369, %dma_wait3A_372] : memref<8192x8192xf32, #tpu.memory_space<hbm>> -> memref<2x8192xf32, #tpu.memory_space<hbm>>
      tpu.wait_dma2 semaphore(%arg21 : memref<!tpu.dma_semaphore, #tpu.memory_space<semaphore_mem>>) src(%arg7 : memref<2x8192xf32, #tpu.memory_space<vmem>>) dst(%dma_wait3A_373 : memref<2x8192xf32, #tpu.memory_space<hbm>>)
      %add3A_374 = arith.constant 7 : i32
      %add3A_375 = arith.addi %add3A_366, %add3A_374 : i32
      %dma_start3A_376 = arith.constant 0 : i32
      %dma_start3A_377 = tpu.memref_slice %arg5[%add3A_375, %dma_start3A_376] : memref<128x2xi32, #tpu.memory_space<vmem>> -> memref<1x2xi32, #tpu.memory_space<vmem>>
      %dma_start3A_378 = tpu.memref_squeeze %dma_start3A_377 : memref<1x2xi32, #tpu.memory_space<vmem>> -> memref<2xi32, #tpu.memory_space<vmem>>
      %dma_start3A_379 = arith.constant 0 : i32
      %dma_start3A_380 = arith.constant 0 : i32
      %dma_start3A_381 = tpu.memref_slice %arg3[%dma_start3A_379, %dma_start3A_380] : memref<8192x8192xf32, #tpu.memory_space<hbm>> -> memref<8192x8192xf32, #tpu.memory_space<hbm>>
      tpu.enqueue_indirect_dma source(%dma_start3A_381 : memref<8192x8192xf32, #tpu.memory_space<hbm>>) target(%arg7 : memref<2x8192xf32, #tpu.memory_space<vmem>>) offsets(%dma_start3A_378 : memref<2xi32, #tpu.memory_space<vmem>>) semaphore(%arg14 : memref<!tpu.dma_semaphore, #tpu.memory_space<semaphore_mem>>)
      %add3A_382 = arith.constant 2 : i32
      %add3A_383 = arith.addi %mul3A_242, %add3A_382 : i32
      %mul3A_384 = arith.constant 2 : i32
      %mul3A_385 = arith.muli %add3A_383, %mul3A_384 : i32
      %add3A_386 = arith.addi %mul3A_2, %mul3A_385 : i32
      %dma_wait3A_387 = arith.constant 0 : i32
      %dma_wait3A_388 = tpu.memref_slice %arg4[%add3A_386, %dma_wait3A_387] : memref<8192x8192xf32, #tpu.memory_space<hbm>> -> memref<2x8192xf32, #tpu.memory_space<hbm>>
      %dma_wait3A_389 = arith.constant 0 : i32
      %dma_wait3A_390 = tpu.memref_slice %arg4[%add3A_386, %dma_wait3A_389] : memref<8192x8192xf32, #tpu.memory_space<hbm>> -> memref<2x8192xf32, #tpu.memory_space<hbm>>
      tpu.wait_dma2 semaphore(%arg22 : memref<!tpu.dma_semaphore, #tpu.memory_space<semaphore_mem>>) src(%arg8 : memref<2x8192xf32, #tpu.memory_space<vmem>>) dst(%dma_wait3A_390 : memref<2x8192xf32, #tpu.memory_space<hbm>>)
      %add3A_391 = arith.constant 7 : i32
      %add3A_392 = arith.addi %add3A_383, %add3A_391 : i32
      %dma_start3A_393 = arith.constant 0 : i32
      %dma_start3A_394 = tpu.memref_slice %arg5[%add3A_392, %dma_start3A_393] : memref<128x2xi32, #tpu.memory_space<vmem>> -> memref<1x2xi32, #tpu.memory_space<vmem>>
      %dma_start3A_395 = tpu.memref_squeeze %dma_start3A_394 : memref<1x2xi32, #tpu.memory_space<vmem>> -> memref<2xi32, #tpu.memory_space<vmem>>
      %dma_start3A_396 = arith.constant 0 : i32
      %dma_start3A_397 = arith.constant 0 : i32
      %dma_start3A_398 = tpu.memref_slice %arg3[%dma_start3A_396, %dma_start3A_397] : memref<8192x8192xf32, #tpu.memory_space<hbm>> -> memref<8192x8192xf32, #tpu.memory_space<hbm>>
      tpu.enqueue_indirect_dma source(%dma_start3A_398 : memref<8192x8192xf32, #tpu.memory_space<hbm>>) target(%arg8 : memref<2x8192xf32, #tpu.memory_space<vmem>>) offsets(%dma_start3A_395 : memref<2xi32, #tpu.memory_space<vmem>>) semaphore(%arg15 : memref<!tpu.dma_semaphore, #tpu.memory_space<semaphore_mem>>)
      %add3A_399 = arith.constant 3 : i32
      %add3A_400 = arith.addi %mul3A_242, %add3A_399 : i32
      %mul3A_401 = arith.constant 2 : i32
      %mul3A_402 = arith.muli %add3A_400, %mul3A_401 : i32
      %add3A_403 = arith.addi %mul3A_2, %mul3A_402 : i32
      %dma_wait3A_404 = arith.constant 0 : i32
      %dma_wait3A_405 = tpu.memref_slice %arg4[%add3A_403, %dma_wait3A_404] : memref<8192x8192xf32, #tpu.memory_space<hbm>> -> memref<2x8192xf32, #tpu.memory_space<hbm>>
      %dma_wait3A_406 = arith.constant 0 : i32
      %dma_wait3A_407 = tpu.memref_slice %arg4[%add3A_403, %dma_wait3A_406] : memref<8192x8192xf32, #tpu.memory_space<hbm>> -> memref<2x8192xf32, #tpu.memory_space<hbm>>
      tpu.wait_dma2 semaphore(%arg23 : memref<!tpu.dma_semaphore, #tpu.memory_space<semaphore_mem>>) src(%arg9 : memref<2x8192xf32, #tpu.memory_space<vmem>>) dst(%dma_wait3A_407 : memref<2x8192xf32, #tpu.memory_space<hbm>>)
      %add3A_408 = arith.constant 7 : i32
      %add3A_409 = arith.addi %add3A_400, %add3A_408 : i32
      %dma_start3A_410 = arith.constant 0 : i32
      %dma_start3A_411 = tpu.memref_slice %arg5[%add3A_409, %dma_start3A_410] : memref<128x2xi32, #tpu.memory_space<vmem>> -> memref<1x2xi32, #tpu.memory_space<vmem>>
      %dma_start3A_412 = tpu.memref_squeeze %dma_start3A_411 : memref<1x2xi32, #tpu.memory_space<vmem>> -> memref<2xi32, #tpu.memory_space<vmem>>
      %dma_start3A_413 = arith.constant 0 : i32
      %dma_start3A_414 = arith.constant 0 : i32
      %dma_start3A_415 = tpu.memref_slice %arg3[%dma_start3A_413, %dma_start3A_414] : memref<8192x8192xf32, #tpu.memory_space<hbm>> -> memref<8192x8192xf32, #tpu.memory_space<hbm>>
      tpu.enqueue_indirect_dma source(%dma_start3A_415 : memref<8192x8192xf32, #tpu.memory_space<hbm>>) target(%arg9 : memref<2x8192xf32, #tpu.memory_space<vmem>>) offsets(%dma_start3A_412 : memref<2xi32, #tpu.memory_space<vmem>>) semaphore(%arg16 : memref<!tpu.dma_semaphore, #tpu.memory_space<semaphore_mem>>)
      %add3A_416 = arith.constant 4 : i32
      %add3A_417 = arith.addi %mul3A_242, %add3A_416 : i32
      %mul3A_418 = arith.constant 2 : i32
      %mul3A_419 = arith.muli %add3A_417, %mul3A_418 : i32
      %add3A_420 = arith.addi %mul3A_2, %mul3A_419 : i32
      %dma_wait3A_421 = arith.constant 0 : i32
      %dma_wait3A_422 = tpu.memref_slice %arg4[%add3A_420, %dma_wait3A_421] : memref<8192x8192xf32, #tpu.memory_space<hbm>> -> memref<2x8192xf32, #tpu.memory_space<hbm>>
      %dma_wait3A_423 = arith.constant 0 : i32
      %dma_wait3A_424 = tpu.memref_slice %arg4[%add3A_420, %dma_wait3A_423] : memref<8192x8192xf32, #tpu.memory_space<hbm>> -> memref<2x8192xf32, #tpu.memory_space<hbm>>
      tpu.wait_dma2 semaphore(%arg24 : memref<!tpu.dma_semaphore, #tpu.memory_space<semaphore_mem>>) src(%arg10 : memref<2x8192xf32, #tpu.memory_space<vmem>>) dst(%dma_wait3A_424 : memref<2x8192xf32, #tpu.memory_space<hbm>>)
      %add3A_425 = arith.constant 7 : i32
      %add3A_426 = arith.addi %add3A_417, %add3A_425 : i32
      %dma_start3A_427 = arith.constant 0 : i32
      %dma_start3A_428 = tpu.memref_slice %arg5[%add3A_426, %dma_start3A_427] : memref<128x2xi32, #tpu.memory_space<vmem>> -> memref<1x2xi32, #tpu.memory_space<vmem>>
      %dma_start3A_429 = tpu.memref_squeeze %dma_start3A_428 : memref<1x2xi32, #tpu.memory_space<vmem>> -> memref<2xi32, #tpu.memory_space<vmem>>
      %dma_start3A_430 = arith.constant 0 : i32
      %dma_start3A_431 = arith.constant 0 : i32
      %dma_start3A_432 = tpu.memref_slice %arg3[%dma_start3A_430, %dma_start3A_431] : memref<8192x8192xf32, #tpu.memory_space<hbm>> -> memref<8192x8192xf32, #tpu.memory_space<hbm>>
      tpu.enqueue_indirect_dma source(%dma_start3A_432 : memref<8192x8192xf32, #tpu.memory_space<hbm>>) target(%arg10 : memref<2x8192xf32, #tpu.memory_space<vmem>>) offsets(%dma_start3A_429 : memref<2xi32, #tpu.memory_space<vmem>>) semaphore(%arg17 : memref<!tpu.dma_semaphore, #tpu.memory_space<semaphore_mem>>)
      %add3A_433 = arith.constant 5 : i32
      %add3A_434 = arith.addi %mul3A_242, %add3A_433 : i32
      %mul3A_435 = arith.constant 2 : i32
      %mul3A_436 = arith.muli %add3A_434, %mul3A_435 : i32
      %add3A_437 = arith.addi %mul3A_2, %mul3A_436 : i32
      %dma_wait3A_438 = arith.constant 0 : i32
      %dma_wait3A_439 = tpu.memref_slice %arg4[%add3A_437, %dma_wait3A_438] : memref<8192x8192xf32, #tpu.memory_space<hbm>> -> memref<2x8192xf32, #tpu.memory_space<hbm>>
      %dma_wait3A_440 = arith.constant 0 : i32
      %dma_wait3A_441 = tpu.memref_slice %arg4[%add3A_437, %dma_wait3A_440] : memref<8192x8192xf32, #tpu.memory_space<hbm>> -> memref<2x8192xf32, #tpu.memory_space<hbm>>
      tpu.wait_dma2 semaphore(%arg25 : memref<!tpu.dma_semaphore, #tpu.memory_space<semaphore_mem>>) src(%arg11 : memref<2x8192xf32, #tpu.memory_space<vmem>>) dst(%dma_wait3A_441 : memref<2x8192xf32, #tpu.memory_space<hbm>>)
      %add3A_442 = arith.constant 7 : i32
      %add3A_443 = arith.addi %add3A_434, %add3A_442 : i32
      %dma_start3A_444 = arith.constant 0 : i32
      %dma_start3A_445 = tpu.memref_slice %arg5[%add3A_443, %dma_start3A_444] : memref<128x2xi32, #tpu.memory_space<vmem>> -> memref<1x2xi32, #tpu.memory_space<vmem>>
      %dma_start3A_446 = tpu.memref_squeeze %dma_start3A_445 : memref<1x2xi32, #tpu.memory_space<vmem>> -> memref<2xi32, #tpu.memory_space<vmem>>
      %dma_start3A_447 = arith.constant 0 : i32
      %dma_start3A_448 = arith.constant 0 : i32
      %dma_start3A_449 = tpu.memref_slice %arg3[%dma_start3A_447, %dma_start3A_448] : memref<8192x8192xf32, #tpu.memory_space<hbm>> -> memref<8192x8192xf32, #tpu.memory_space<hbm>>
      tpu.enqueue_indirect_dma source(%dma_start3A_449 : memref<8192x8192xf32, #tpu.memory_space<hbm>>) target(%arg11 : memref<2x8192xf32, #tpu.memory_space<vmem>>) offsets(%dma_start3A_446 : memref<2xi32, #tpu.memory_space<vmem>>) semaphore(%arg18 : memref<!tpu.dma_semaphore, #tpu.memory_space<semaphore_mem>>)
      %add3A_450 = arith.constant 6 : i32
      %add3A_451 = arith.addi %mul3A_242, %add3A_450 : i32
      %mul3A_452 = arith.constant 2 : i32
      %mul3A_453 = arith.muli %add3A_451, %mul3A_452 : i32
      %add3A_454 = arith.addi %mul3A_2, %mul3A_453 : i32
      %dma_wait3A_455 = arith.constant 0 : i32
      %dma_wait3A_456 = tpu.memref_slice %arg4[%add3A_454, %dma_wait3A_455] : memref<8192x8192xf32, #tpu.memory_space<hbm>> -> memref<2x8192xf32, #tpu.memory_space<hbm>>
      %dma_wait3A_457 = arith.constant 0 : i32
      %dma_wait3A_458 = tpu.memref_slice %arg4[%add3A_454, %dma_wait3A_457] : memref<8192x8192xf32, #tpu.memory_space<hbm>> -> memref<2x8192xf32, #tpu.memory_space<hbm>>
      tpu.wait_dma2 semaphore(%arg26 : memref<!tpu.dma_semaphore, #tpu.memory_space<semaphore_mem>>) src(%arg12 : memref<2x8192xf32, #tpu.memory_space<vmem>>) dst(%dma_wait3A_458 : memref<2x8192xf32, #tpu.memory_space<hbm>>)
      %add3A_459 = arith.constant 7 : i32
      %add3A_460 = arith.addi %add3A_451, %add3A_459 : i32
      %dma_start3A_461 = arith.constant 0 : i32
      %dma_start3A_462 = tpu.memref_slice %arg5[%add3A_460, %dma_start3A_461] : memref<128x2xi32, #tpu.memory_space<vmem>> -> memref<1x2xi32, #tpu.memory_space<vmem>>
      %dma_start3A_463 = tpu.memref_squeeze %dma_start3A_462 : memref<1x2xi32, #tpu.memory_space<vmem>> -> memref<2xi32, #tpu.memory_space<vmem>>
      %dma_start3A_464 = arith.constant 0 : i32
      %dma_start3A_465 = arith.constant 0 : i32
      %dma_start3A_466 = tpu.memref_slice %arg3[%dma_start3A_464, %dma_start3A_465] : memref<8192x8192xf32, #tpu.memory_space<hbm>> -> memref<8192x8192xf32, #tpu.memory_space<hbm>>
      tpu.enqueue_indirect_dma source(%dma_start3A_466 : memref<8192x8192xf32, #tpu.memory_space<hbm>>) target(%arg12 : memref<2x8192xf32, #tpu.memory_space<vmem>>) offsets(%dma_start3A_463 : memref<2xi32, #tpu.memory_space<vmem>>) semaphore(%arg19 : memref<!tpu.dma_semaphore, #tpu.memory_space<semaphore_mem>>)
    }
    %scan3A_55 = arith.constant 17 : i32
    %dma_wait3A = arith.constant 119 : i32
    %dma_wait3A_56 = arith.constant 0 : i32
    %dma_wait3A_57 = tpu.memref_slice %arg5[%dma_wait3A, %dma_wait3A_56] : memref<128x2xi32, #tpu.memory_space<vmem>> -> memref<1x2xi32, #tpu.memory_space<vmem>>
    %dma_wait3A_58 = tpu.memref_squeeze %dma_wait3A_57 : memref<1x2xi32, #tpu.memory_space<vmem>> -> memref<2xi32, #tpu.memory_space<vmem>>
    %dma_wait3A_59 = arith.constant 0 : i32
    %dma_wait3A_60 = arith.constant 0 : i32
    %dma_wait3A_61 = tpu.memref_slice %arg3[%dma_wait3A_59, %dma_wait3A_60] : memref<8192x8192xf32, #tpu.memory_space<hbm>> -> memref<8192x8192xf32, #tpu.memory_space<hbm>>
    tpu.wait_indirect_dma semaphore(%arg13 : memref<!tpu.dma_semaphore, #tpu.memory_space<semaphore_mem>>) src(%dma_wait3A_61 : memref<8192x8192xf32, #tpu.memory_space<hbm>>) dst(%arg6 : memref<2x8192xf32, #tpu.memory_space<vmem>>)
    %add3A_62 = arith.constant 238 : i32
    %add3A_63 = arith.addi %mul3A_2, %add3A_62 : i32
    %dma_start3A_64 = arith.constant 0 : i32
    %dma_start3A_65 = tpu.memref_slice %arg4[%add3A_63, %dma_start3A_64] : memref<8192x8192xf32, #tpu.memory_space<hbm>> -> memref<2x8192xf32, #tpu.memory_space<hbm>>
    %dma_start3A_66 = arith.constant 0 : i32
    %dma_start3A_67 = tpu.memref_slice %arg4[%add3A_63, %dma_start3A_66] : memref<8192x8192xf32, #tpu.memory_space<hbm>> -> memref<2x8192xf32, #tpu.memory_space<hbm>>
    tpu.enqueue_dma source(%arg6 : memref<2x8192xf32, #tpu.memory_space<vmem>>) target(%dma_start3A_67 : memref<2x8192xf32, #tpu.memory_space<hbm>>) target_semaphore(%arg20 : memref<!tpu.dma_semaphore, #tpu.memory_space<semaphore_mem>>)
    %dma_wait3A_68 = arith.constant 120 : i32
    %dma_wait3A_69 = arith.constant 0 : i32
    %dma_wait3A_70 = tpu.memref_slice %arg5[%dma_wait3A_68, %dma_wait3A_69] : memref<128x2xi32, #tpu.memory_space<vmem>> -> memref<1x2xi32, #tpu.memory_space<vmem>>
    %dma_wait3A_71 = tpu.memref_squeeze %dma_wait3A_70 : memref<1x2xi32, #tpu.memory_space<vmem>> -> memref<2xi32, #tpu.memory_space<vmem>>
    %dma_wait3A_72 = arith.constant 0 : i32
    %dma_wait3A_73 = arith.constant 0 : i32
    %dma_wait3A_74 = tpu.memref_slice %arg3[%dma_wait3A_72, %dma_wait3A_73] : memref<8192x8192xf32, #tpu.memory_space<hbm>> -> memref<8192x8192xf32, #tpu.memory_space<hbm>>
    tpu.wait_indirect_dma semaphore(%arg14 : memref<!tpu.dma_semaphore, #tpu.memory_space<semaphore_mem>>) src(%dma_wait3A_74 : memref<8192x8192xf32, #tpu.memory_space<hbm>>) dst(%arg7 : memref<2x8192xf32, #tpu.memory_space<vmem>>)
    %add3A_75 = arith.constant 240 : i32
    %add3A_76 = arith.addi %mul3A_2, %add3A_75 : i32
    %dma_start3A_77 = arith.constant 0 : i32
    %dma_start3A_78 = tpu.memref_slice %arg4[%add3A_76, %dma_start3A_77] : memref<8192x8192xf32, #tpu.memory_space<hbm>> -> memref<2x8192xf32, #tpu.memory_space<hbm>>
    %dma_start3A_79 = arith.constant 0 : i32
    %dma_start3A_80 = tpu.memref_slice %arg4[%add3A_76, %dma_start3A_79] : memref<8192x8192xf32, #tpu.memory_space<hbm>> -> memref<2x8192xf32, #tpu.memory_space<hbm>>
    tpu.enqueue_dma source(%arg7 : memref<2x8192xf32, #tpu.memory_space<vmem>>) target(%dma_start3A_80 : memref<2x8192xf32, #tpu.memory_space<hbm>>) target_semaphore(%arg21 : memref<!tpu.dma_semaphore, #tpu.memory_space<semaphore_mem>>)
    %dma_wait3A_81 = arith.constant 121 : i32
    %dma_wait3A_82 = arith.constant 0 : i32
    %dma_wait3A_83 = tpu.memref_slice %arg5[%dma_wait3A_81, %dma_wait3A_82] : memref<128x2xi32, #tpu.memory_space<vmem>> -> memref<1x2xi32, #tpu.memory_space<vmem>>
    %dma_wait3A_84 = tpu.memref_squeeze %dma_wait3A_83 : memref<1x2xi32, #tpu.memory_space<vmem>> -> memref<2xi32, #tpu.memory_space<vmem>>
    %dma_wait3A_85 = arith.constant 0 : i32
    %dma_wait3A_86 = arith.constant 0 : i32
    %dma_wait3A_87 = tpu.memref_slice %arg3[%dma_wait3A_85, %dma_wait3A_86] : memref<8192x8192xf32, #tpu.memory_space<hbm>> -> memref<8192x8192xf32, #tpu.memory_space<hbm>>
    tpu.wait_indirect_dma semaphore(%arg15 : memref<!tpu.dma_semaphore, #tpu.memory_space<semaphore_mem>>) src(%dma_wait3A_87 : memref<8192x8192xf32, #tpu.memory_space<hbm>>) dst(%arg8 : memref<2x8192xf32, #tpu.memory_space<vmem>>)
    %add3A_88 = arith.constant 242 : i32
    %add3A_89 = arith.addi %mul3A_2, %add3A_88 : i32
    %dma_start3A_90 = arith.constant 0 : i32
    %dma_start3A_91 = tpu.memref_slice %arg4[%add3A_89, %dma_start3A_90] : memref<8192x8192xf32, #tpu.memory_space<hbm>> -> memref<2x8192xf32, #tpu.memory_space<hbm>>
    %dma_start3A_92 = arith.constant 0 : i32
    %dma_start3A_93 = tpu.memref_slice %arg4[%add3A_89, %dma_start3A_92] : memref<8192x8192xf32, #tpu.memory_space<hbm>> -> memref<2x8192xf32, #tpu.memory_space<hbm>>
    tpu.enqueue_dma source(%arg8 : memref<2x8192xf32, #tpu.memory_space<vmem>>) target(%dma_start3A_93 : memref<2x8192xf32, #tpu.memory_space<hbm>>) target_semaphore(%arg22 : memref<!tpu.dma_semaphore, #tpu.memory_space<semaphore_mem>>)
    %dma_wait3A_94 = arith.constant 122 : i32
    %dma_wait3A_95 = arith.constant 0 : i32
    %dma_wait3A_96 = tpu.memref_slice %arg5[%dma_wait3A_94, %dma_wait3A_95] : memref<128x2xi32, #tpu.memory_space<vmem>> -> memref<1x2xi32, #tpu.memory_space<vmem>>
    %dma_wait3A_97 = tpu.memref_squeeze %dma_wait3A_96 : memref<1x2xi32, #tpu.memory_space<vmem>> -> memref<2xi32, #tpu.memory_space<vmem>>
    %dma_wait3A_98 = arith.constant 0 : i32
    %dma_wait3A_99 = arith.constant 0 : i32
    %dma_wait3A_100 = tpu.memref_slice %arg3[%dma_wait3A_98, %dma_wait3A_99] : memref<8192x8192xf32, #tpu.memory_space<hbm>> -> memref<8192x8192xf32, #tpu.memory_space<hbm>>
    tpu.wait_indirect_dma semaphore(%arg16 : memref<!tpu.dma_semaphore, #tpu.memory_space<semaphore_mem>>) src(%dma_wait3A_100 : memref<8192x8192xf32, #tpu.memory_space<hbm>>) dst(%arg9 : memref<2x8192xf32, #tpu.memory_space<vmem>>)
    %add3A_101 = arith.constant 244 : i32
    %add3A_102 = arith.addi %mul3A_2, %add3A_101 : i32
    %dma_start3A_103 = arith.constant 0 : i32
    %dma_start3A_104 = tpu.memref_slice %arg4[%add3A_102, %dma_start3A_103] : memref<8192x8192xf32, #tpu.memory_space<hbm>> -> memref<2x8192xf32, #tpu.memory_space<hbm>>
    %dma_start3A_105 = arith.constant 0 : i32
    %dma_start3A_106 = tpu.memref_slice %arg4[%add3A_102, %dma_start3A_105] : memref<8192x8192xf32, #tpu.memory_space<hbm>> -> memref<2x8192xf32, #tpu.memory_space<hbm>>
    tpu.enqueue_dma source(%arg9 : memref<2x8192xf32, #tpu.memory_space<vmem>>) target(%dma_start3A_106 : memref<2x8192xf32, #tpu.memory_space<hbm>>) target_semaphore(%arg23 : memref<!tpu.dma_semaphore, #tpu.memory_space<semaphore_mem>>)
    %dma_wait3A_107 = arith.constant 123 : i32
    %dma_wait3A_108 = arith.constant 0 : i32
    %dma_wait3A_109 = tpu.memref_slice %arg5[%dma_wait3A_107, %dma_wait3A_108] : memref<128x2xi32, #tpu.memory_space<vmem>> -> memref<1x2xi32, #tpu.memory_space<vmem>>
    %dma_wait3A_110 = tpu.memref_squeeze %dma_wait3A_109 : memref<1x2xi32, #tpu.memory_space<vmem>> -> memref<2xi32, #tpu.memory_space<vmem>>
    %dma_wait3A_111 = arith.constant 0 : i32
    %dma_wait3A_112 = arith.constant 0 : i32
    %dma_wait3A_113 = tpu.memref_slice %arg3[%dma_wait3A_111, %dma_wait3A_112] : memref<8192x8192xf32, #tpu.memory_space<hbm>> -> memref<8192x8192xf32, #tpu.memory_space<hbm>>
    tpu.wait_indirect_dma semaphore(%arg17 : memref<!tpu.dma_semaphore, #tpu.memory_space<semaphore_mem>>) src(%dma_wait3A_113 : memref<8192x8192xf32, #tpu.memory_space<hbm>>) dst(%arg10 : memref<2x8192xf32, #tpu.memory_space<vmem>>)
    %add3A_114 = arith.constant 246 : i32
    %add3A_115 = arith.addi %mul3A_2, %add3A_114 : i32
    %dma_start3A_116 = arith.constant 0 : i32
    %dma_start3A_117 = tpu.memref_slice %arg4[%add3A_115, %dma_start3A_116] : memref<8192x8192xf32, #tpu.memory_space<hbm>> -> memref<2x8192xf32, #tpu.memory_space<hbm>>
    %dma_start3A_118 = arith.constant 0 : i32
    %dma_start3A_119 = tpu.memref_slice %arg4[%add3A_115, %dma_start3A_118] : memref<8192x8192xf32, #tpu.memory_space<hbm>> -> memref<2x8192xf32, #tpu.memory_space<hbm>>
    tpu.enqueue_dma source(%arg10 : memref<2x8192xf32, #tpu.memory_space<vmem>>) target(%dma_start3A_119 : memref<2x8192xf32, #tpu.memory_space<hbm>>) target_semaphore(%arg24 : memref<!tpu.dma_semaphore, #tpu.memory_space<semaphore_mem>>)
    %dma_wait3A_120 = arith.constant 124 : i32
    %dma_wait3A_121 = arith.constant 0 : i32
    %dma_wait3A_122 = tpu.memref_slice %arg5[%dma_wait3A_120, %dma_wait3A_121] : memref<128x2xi32, #tpu.memory_space<vmem>> -> memref<1x2xi32, #tpu.memory_space<vmem>>
    %dma_wait3A_123 = tpu.memref_squeeze %dma_wait3A_122 : memref<1x2xi32, #tpu.memory_space<vmem>> -> memref<2xi32, #tpu.memory_space<vmem>>
    %dma_wait3A_124 = arith.constant 0 : i32
    %dma_wait3A_125 = arith.constant 0 : i32
    %dma_wait3A_126 = tpu.memref_slice %arg3[%dma_wait3A_124, %dma_wait3A_125] : memref<8192x8192xf32, #tpu.memory_space<hbm>> -> memref<8192x8192xf32, #tpu.memory_space<hbm>>
    tpu.wait_indirect_dma semaphore(%arg18 : memref<!tpu.dma_semaphore, #tpu.memory_space<semaphore_mem>>) src(%dma_wait3A_126 : memref<8192x8192xf32, #tpu.memory_space<hbm>>) dst(%arg11 : memref<2x8192xf32, #tpu.memory_space<vmem>>)
    %add3A_127 = arith.constant 248 : i32
    %add3A_128 = arith.addi %mul3A_2, %add3A_127 : i32
    %dma_start3A_129 = arith.constant 0 : i32
    %dma_start3A_130 = tpu.memref_slice %arg4[%add3A_128, %dma_start3A_129] : memref<8192x8192xf32, #tpu.memory_space<hbm>> -> memref<2x8192xf32, #tpu.memory_space<hbm>>
    %dma_start3A_131 = arith.constant 0 : i32
    %dma_start3A_132 = tpu.memref_slice %arg4[%add3A_128, %dma_start3A_131] : memref<8192x8192xf32, #tpu.memory_space<hbm>> -> memref<2x8192xf32, #tpu.memory_space<hbm>>
    tpu.enqueue_dma source(%arg11 : memref<2x8192xf32, #tpu.memory_space<vmem>>) target(%dma_start3A_132 : memref<2x8192xf32, #tpu.memory_space<hbm>>) target_semaphore(%arg25 : memref<!tpu.dma_semaphore, #tpu.memory_space<semaphore_mem>>)
    %dma_wait3A_133 = arith.constant 125 : i32
    %dma_wait3A_134 = arith.constant 0 : i32
    %dma_wait3A_135 = tpu.memref_slice %arg5[%dma_wait3A_133, %dma_wait3A_134] : memref<128x2xi32, #tpu.memory_space<vmem>> -> memref<1x2xi32, #tpu.memory_space<vmem>>
    %dma_wait3A_136 = tpu.memref_squeeze %dma_wait3A_135 : memref<1x2xi32, #tpu.memory_space<vmem>> -> memref<2xi32, #tpu.memory_space<vmem>>
    %dma_wait3A_137 = arith.constant 0 : i32
    %dma_wait3A_138 = arith.constant 0 : i32
    %dma_wait3A_139 = tpu.memref_slice %arg3[%dma_wait3A_137, %dma_wait3A_138] : memref<8192x8192xf32, #tpu.memory_space<hbm>> -> memref<8192x8192xf32, #tpu.memory_space<hbm>>
    tpu.wait_indirect_dma semaphore(%arg19 : memref<!tpu.dma_semaphore, #tpu.memory_space<semaphore_mem>>) src(%dma_wait3A_139 : memref<8192x8192xf32, #tpu.memory_space<hbm>>) dst(%arg12 : memref<2x8192xf32, #tpu.memory_space<vmem>>)
    %add3A_140 = arith.constant 250 : i32
    %add3A_141 = arith.addi %mul3A_2, %add3A_140 : i32
    %dma_start3A_142 = arith.constant 0 : i32
    %dma_start3A_143 = tpu.memref_slice %arg4[%add3A_141, %dma_start3A_142] : memref<8192x8192xf32, #tpu.memory_space<hbm>> -> memref<2x8192xf32, #tpu.memory_space<hbm>>
    %dma_start3A_144 = arith.constant 0 : i32
    %dma_start3A_145 = tpu.memref_slice %arg4[%add3A_141, %dma_start3A_144] : memref<8192x8192xf32, #tpu.memory_space<hbm>> -> memref<2x8192xf32, #tpu.memory_space<hbm>>
    tpu.enqueue_dma source(%arg12 : memref<2x8192xf32, #tpu.memory_space<vmem>>) target(%dma_start3A_145 : memref<2x8192xf32, #tpu.memory_space<hbm>>) target_semaphore(%arg26 : memref<!tpu.dma_semaphore, #tpu.memory_space<semaphore_mem>>)
    %add3A_146 = arith.constant 238 : i32
    %add3A_147 = arith.addi %mul3A_2, %add3A_146 : i32
    %dma_wait3A_148 = arith.constant 0 : i32
    %dma_wait3A_149 = tpu.memref_slice %arg4[%add3A_147, %dma_wait3A_148] : memref<8192x8192xf32, #tpu.memory_space<hbm>> -> memref<2x8192xf32, #tpu.memory_space<hbm>>
    %dma_wait3A_150 = arith.constant 0 : i32
    %dma_wait3A_151 = tpu.memref_slice %arg4[%add3A_147, %dma_wait3A_150] : memref<8192x8192xf32, #tpu.memory_space<hbm>> -> memref<2x8192xf32, #tpu.memory_space<hbm>>
    tpu.wait_dma2 semaphore(%arg20 : memref<!tpu.dma_semaphore, #tpu.memory_space<semaphore_mem>>) src(%arg6 : memref<2x8192xf32, #tpu.memory_space<vmem>>) dst(%dma_wait3A_151 : memref<2x8192xf32, #tpu.memory_space<hbm>>)
    %dma_start3A_152 = arith.constant 126 : i32
    %dma_start3A_153 = arith.constant 0 : i32
    %dma_start3A_154 = tpu.memref_slice %arg5[%dma_start3A_152, %dma_start3A_153] : memref<128x2xi32, #tpu.memory_space<vmem>> -> memref<1x2xi32, #tpu.memory_space<vmem>>
    %dma_start3A_155 = tpu.memref_squeeze %dma_start3A_154 : memref<1x2xi32, #tpu.memory_space<vmem>> -> memref<2xi32, #tpu.memory_space<vmem>>
    %dma_start3A_156 = arith.constant 0 : i32
    %dma_start3A_157 = arith.constant 0 : i32
    %dma_start3A_158 = tpu.memref_slice %arg3[%dma_start3A_156, %dma_start3A_157] : memref<8192x8192xf32, #tpu.memory_space<hbm>> -> memref<8192x8192xf32, #tpu.memory_space<hbm>>
    tpu.enqueue_indirect_dma source(%dma_start3A_158 : memref<8192x8192xf32, #tpu.memory_space<hbm>>) target(%arg6 : memref<2x8192xf32, #tpu.memory_space<vmem>>) offsets(%dma_start3A_155 : memref<2xi32, #tpu.memory_space<vmem>>) semaphore(%arg13 : memref<!tpu.dma_semaphore, #tpu.memory_space<semaphore_mem>>)
    %add3A_159 = arith.constant 240 : i32
    %add3A_160 = arith.addi %mul3A_2, %add3A_159 : i32
    %dma_wait3A_161 = arith.constant 0 : i32
    %dma_wait3A_162 = tpu.memref_slice %arg4[%add3A_160, %dma_wait3A_161] : memref<8192x8192xf32, #tpu.memory_space<hbm>> -> memref<2x8192xf32, #tpu.memory_space<hbm>>
    %dma_wait3A_163 = arith.constant 0 : i32
    %dma_wait3A_164 = tpu.memref_slice %arg4[%add3A_160, %dma_wait3A_163] : memref<8192x8192xf32, #tpu.memory_space<hbm>> -> memref<2x8192xf32, #tpu.memory_space<hbm>>
    tpu.wait_dma2 semaphore(%arg21 : memref<!tpu.dma_semaphore, #tpu.memory_space<semaphore_mem>>) src(%arg7 : memref<2x8192xf32, #tpu.memory_space<vmem>>) dst(%dma_wait3A_164 : memref<2x8192xf32, #tpu.memory_space<hbm>>)
    %dma_start3A_165 = arith.constant 127 : i32
    %dma_start3A_166 = arith.constant 0 : i32
    %dma_start3A_167 = tpu.memref_slice %arg5[%dma_start3A_165, %dma_start3A_166] : memref<128x2xi32, #tpu.memory_space<vmem>> -> memref<1x2xi32, #tpu.memory_space<vmem>>
    %dma_start3A_168 = tpu.memref_squeeze %dma_start3A_167 : memref<1x2xi32, #tpu.memory_space<vmem>> -> memref<2xi32, #tpu.memory_space<vmem>>
    %dma_start3A_169 = arith.constant 0 : i32
    %dma_start3A_170 = arith.constant 0 : i32
    %dma_start3A_171 = tpu.memref_slice %arg3[%dma_start3A_169, %dma_start3A_170] : memref<8192x8192xf32, #tpu.memory_space<hbm>> -> memref<8192x8192xf32, #tpu.memory_space<hbm>>
    tpu.enqueue_indirect_dma source(%dma_start3A_171 : memref<8192x8192xf32, #tpu.memory_space<hbm>>) target(%arg7 : memref<2x8192xf32, #tpu.memory_space<vmem>>) offsets(%dma_start3A_168 : memref<2xi32, #tpu.memory_space<vmem>>) semaphore(%arg14 : memref<!tpu.dma_semaphore, #tpu.memory_space<semaphore_mem>>)
    %dma_wait3A_172 = arith.constant 126 : i32
    %dma_wait3A_173 = arith.constant 0 : i32
    %dma_wait3A_174 = tpu.memref_slice %arg5[%dma_wait3A_172, %dma_wait3A_173] : memref<128x2xi32, #tpu.memory_space<vmem>> -> memref<1x2xi32, #tpu.memory_space<vmem>>
    %dma_wait3A_175 = tpu.memref_squeeze %dma_wait3A_174 : memref<1x2xi32, #tpu.memory_space<vmem>> -> memref<2xi32, #tpu.memory_space<vmem>>
    %dma_wait3A_176 = arith.constant 0 : i32
    %dma_wait3A_177 = arith.constant 0 : i32
    %dma_wait3A_178 = tpu.memref_slice %arg3[%dma_wait3A_176, %dma_wait3A_177] : memref<8192x8192xf32, #tpu.memory_space<hbm>> -> memref<8192x8192xf32, #tpu.memory_space<hbm>>
    tpu.wait_indirect_dma semaphore(%arg13 : memref<!tpu.dma_semaphore, #tpu.memory_space<semaphore_mem>>) src(%dma_wait3A_178 : memref<8192x8192xf32, #tpu.memory_space<hbm>>) dst(%arg6 : memref<2x8192xf32, #tpu.memory_space<vmem>>)
    %add3A_179 = arith.constant 252 : i32
    %add3A_180 = arith.addi %mul3A_2, %add3A_179 : i32
    %dma_start3A_181 = arith.constant 0 : i32
    %dma_start3A_182 = tpu.memref_slice %arg4[%add3A_180, %dma_start3A_181] : memref<8192x8192xf32, #tpu.memory_space<hbm>> -> memref<2x8192xf32, #tpu.memory_space<hbm>>
    %dma_start3A_183 = arith.constant 0 : i32
    %dma_start3A_184 = tpu.memref_slice %arg4[%add3A_180, %dma_start3A_183] : memref<8192x8192xf32, #tpu.memory_space<hbm>> -> memref<2x8192xf32, #tpu.memory_space<hbm>>
    tpu.enqueue_dma source(%arg6 : memref<2x8192xf32, #tpu.memory_space<vmem>>) target(%dma_start3A_184 : memref<2x8192xf32, #tpu.memory_space<hbm>>) target_semaphore(%arg20 : memref<!tpu.dma_semaphore, #tpu.memory_space<semaphore_mem>>)
    %dma_wait3A_185 = arith.constant 127 : i32
    %dma_wait3A_186 = arith.constant 0 : i32
    %dma_wait3A_187 = tpu.memref_slice %arg5[%dma_wait3A_185, %dma_wait3A_186] : memref<128x2xi32, #tpu.memory_space<vmem>> -> memref<1x2xi32, #tpu.memory_space<vmem>>
    %dma_wait3A_188 = tpu.memref_squeeze %dma_wait3A_187 : memref<1x2xi32, #tpu.memory_space<vmem>> -> memref<2xi32, #tpu.memory_space<vmem>>
    %dma_wait3A_189 = arith.constant 0 : i32
    %dma_wait3A_190 = arith.constant 0 : i32
    %dma_wait3A_191 = tpu.memref_slice %arg3[%dma_wait3A_189, %dma_wait3A_190] : memref<8192x8192xf32, #tpu.memory_space<hbm>> -> memref<8192x8192xf32, #tpu.memory_space<hbm>>
    tpu.wait_indirect_dma semaphore(%arg14 : memref<!tpu.dma_semaphore, #tpu.memory_space<semaphore_mem>>) src(%dma_wait3A_191 : memref<8192x8192xf32, #tpu.memory_space<hbm>>) dst(%arg7 : memref<2x8192xf32, #tpu.memory_space<vmem>>)
    %add3A_192 = arith.constant 254 : i32
    %add3A_193 = arith.addi %mul3A_2, %add3A_192 : i32
    %dma_start3A_194 = arith.constant 0 : i32
    %dma_start3A_195 = tpu.memref_slice %arg4[%add3A_193, %dma_start3A_194] : memref<8192x8192xf32, #tpu.memory_space<hbm>> -> memref<2x8192xf32, #tpu.memory_space<hbm>>
    %dma_start3A_196 = arith.constant 0 : i32
    %dma_start3A_197 = tpu.memref_slice %arg4[%add3A_193, %dma_start3A_196] : memref<8192x8192xf32, #tpu.memory_space<hbm>> -> memref<2x8192xf32, #tpu.memory_space<hbm>>
    tpu.enqueue_dma source(%arg7 : memref<2x8192xf32, #tpu.memory_space<vmem>>) target(%dma_start3A_197 : memref<2x8192xf32, #tpu.memory_space<hbm>>) target_semaphore(%arg21 : memref<!tpu.dma_semaphore, #tpu.memory_space<semaphore_mem>>)
    %add3A_198 = arith.constant 252 : i32
    %add3A_199 = arith.addi %mul3A_2, %add3A_198 : i32
    %dma_wait3A_200 = arith.constant 0 : i32
    %dma_wait3A_201 = tpu.memref_slice %arg4[%add3A_199, %dma_wait3A_200] : memref<8192x8192xf32, #tpu.memory_space<hbm>> -> memref<2x8192xf32, #tpu.memory_space<hbm>>
    %dma_wait3A_202 = arith.constant 0 : i32
    %dma_wait3A_203 = tpu.memref_slice %arg4[%add3A_199, %dma_wait3A_202] : memref<8192x8192xf32, #tpu.memory_space<hbm>> -> memref<2x8192xf32, #tpu.memory_space<hbm>>
    tpu.wait_dma2 semaphore(%arg20 : memref<!tpu.dma_semaphore, #tpu.memory_space<semaphore_mem>>) src(%arg6 : memref<2x8192xf32, #tpu.memory_space<vmem>>) dst(%dma_wait3A_203 : memref<2x8192xf32, #tpu.memory_space<hbm>>)
    %add3A_204 = arith.constant 254 : i32
    %add3A_205 = arith.addi %mul3A_2, %add3A_204 : i32
    %dma_wait3A_206 = arith.constant 0 : i32
    %dma_wait3A_207 = tpu.memref_slice %arg4[%add3A_205, %dma_wait3A_206] : memref<8192x8192xf32, #tpu.memory_space<hbm>> -> memref<2x8192xf32, #tpu.memory_space<hbm>>
    %dma_wait3A_208 = arith.constant 0 : i32
    %dma_wait3A_209 = tpu.memref_slice %arg4[%add3A_205, %dma_wait3A_208] : memref<8192x8192xf32, #tpu.memory_space<hbm>> -> memref<2x8192xf32, #tpu.memory_space<hbm>>
    tpu.wait_dma2 semaphore(%arg21 : memref<!tpu.dma_semaphore, #tpu.memory_space<semaphore_mem>>) src(%arg7 : memref<2x8192xf32, #tpu.memory_space<vmem>>) dst(%dma_wait3A_209 : memref<2x8192xf32, #tpu.memory_space<hbm>>)
    %add3A_210 = arith.constant 242 : i32
    %add3A_211 = arith.addi %mul3A_2, %add3A_210 : i32
    %dma_wait3A_212 = arith.constant 0 : i32
    %dma_wait3A_213 = tpu.memref_slice %arg4[%add3A_211, %dma_wait3A_212] : memref<8192x8192xf32, #tpu.memory_space<hbm>> -> memref<2x8192xf32, #tpu.memory_space<hbm>>
    %dma_wait3A_214 = arith.constant 0 : i32
    %dma_wait3A_215 = tpu.memref_slice %arg4[%add3A_211, %dma_wait3A_214] : memref<8192x8192xf32, #tpu.memory_space<hbm>> -> memref<2x8192xf32, #tpu.memory_space<hbm>>
    tpu.wait_dma2 semaphore(%arg22 : memref<!tpu.dma_semaphore, #tpu.memory_space<semaphore_mem>>) src(%arg8 : memref<2x8192xf32, #tpu.memory_space<vmem>>) dst(%dma_wait3A_215 : memref<2x8192xf32, #tpu.memory_space<hbm>>)
    %add3A_216 = arith.constant 244 : i32
    %add3A_217 = arith.addi %mul3A_2, %add3A_216 : i32
    %dma_wait3A_218 = arith.constant 0 : i32
    %dma_wait3A_219 = tpu.memref_slice %arg4[%add3A_217, %dma_wait3A_218] : memref<8192x8192xf32, #tpu.memory_space<hbm>> -> memref<2x8192xf32, #tpu.memory_space<hbm>>
    %dma_wait3A_220 = arith.constant 0 : i32
    %dma_wait3A_221 = tpu.memref_slice %arg4[%add3A_217, %dma_wait3A_220] : memref<8192x8192xf32, #tpu.memory_space<hbm>> -> memref<2x8192xf32, #tpu.memory_space<hbm>>
    tpu.wait_dma2 semaphore(%arg23 : memref<!tpu.dma_semaphore, #tpu.memory_space<semaphore_mem>>) src(%arg9 : memref<2x8192xf32, #tpu.memory_space<vmem>>) dst(%dma_wait3A_221 : memref<2x8192xf32, #tpu.memory_space<hbm>>)
    %add3A_222 = arith.constant 246 : i32
    %add3A_223 = arith.addi %mul3A_2, %add3A_222 : i32
    %dma_wait3A_224 = arith.constant 0 : i32
    %dma_wait3A_225 = tpu.memref_slice %arg4[%add3A_223, %dma_wait3A_224] : memref<8192x8192xf32, #tpu.memory_space<hbm>> -> memref<2x8192xf32, #tpu.memory_space<hbm>>
    %dma_wait3A_226 = arith.constant 0 : i32
    %dma_wait3A_227 = tpu.memref_slice %arg4[%add3A_223, %dma_wait3A_226] : memref<8192x8192xf32, #tpu.memory_space<hbm>> -> memref<2x8192xf32, #tpu.memory_space<hbm>>
    tpu.wait_dma2 semaphore(%arg24 : memref<!tpu.dma_semaphore, #tpu.memory_space<semaphore_mem>>) src(%arg10 : memref<2x8192xf32, #tpu.memory_space<vmem>>) dst(%dma_wait3A_227 : memref<2x8192xf32, #tpu.memory_space<hbm>>)
    %add3A_228 = arith.constant 248 : i32
    %add3A_229 = arith.addi %mul3A_2, %add3A_228 : i32
    %dma_wait3A_230 = arith.constant 0 : i32
    %dma_wait3A_231 = tpu.memref_slice %arg4[%add3A_229, %dma_wait3A_230] : memref<8192x8192xf32, #tpu.memory_space<hbm>> -> memref<2x8192xf32, #tpu.memory_space<hbm>>
    %dma_wait3A_232 = arith.constant 0 : i32
    %dma_wait3A_233 = tpu.memref_slice %arg4[%add3A_229, %dma_wait3A_232] : memref<8192x8192xf32, #tpu.memory_space<hbm>> -> memref<2x8192xf32, #tpu.memory_space<hbm>>
    tpu.wait_dma2 semaphore(%arg25 : memref<!tpu.dma_semaphore, #tpu.memory_space<semaphore_mem>>) src(%arg11 : memref<2x8192xf32, #tpu.memory_space<vmem>>) dst(%dma_wait3A_233 : memref<2x8192xf32, #tpu.memory_space<hbm>>)
    %add3A_234 = arith.constant 250 : i32
    %add3A_235 = arith.addi %mul3A_2, %add3A_234 : i32
    %dma_wait3A_236 = arith.constant 0 : i32
    %dma_wait3A_237 = tpu.memref_slice %arg4[%add3A_235, %dma_wait3A_236] : memref<8192x8192xf32, #tpu.memory_space<hbm>> -> memref<2x8192xf32, #tpu.memory_space<hbm>>
    %dma_wait3A_238 = arith.constant 0 : i32
    %dma_wait3A_239 = tpu.memref_slice %arg4[%add3A_235, %dma_wait3A_238] : memref<8192x8192xf32, #tpu.memory_space<hbm>> -> memref<2x8192xf32, #tpu.memory_space<hbm>>
    tpu.wait_dma2 semaphore(%arg26 : memref<!tpu.dma_semaphore, #tpu.memory_space<semaphore_mem>>) src(%arg12 : memref<2x8192xf32, #tpu.memory_space<vmem>>) dst(%dma_wait3A_239 : memref<2x8192xf32, #tpu.memory_space<hbm>>)
    return
  }
}

</mosaic_0001>

<sc_bundles>
// kernel: kernel.3.cloned.1.call-start
scs
__scs_entry_jumppad:
0x0: {  	(pc) =	sbr.rel $0x88, $3  }
0x1: {  	(tag) =	ssettag $0x0;
	lr =	simm.s32 $0x1  }
0x2: {  	[smem:$0x3F9F] =	sst lr;
	_ =	strace $0xD0000000  }
0x3: {  	_ = 	snop  }
0x4: {  	_ = 	snop  }
0x5: {  	_ = 	snop  }
0x6: {  	_ = 	snop  }
0x7: {  	_ = 	snop  }
__scs_overlays_trampoline_lowered:
0x8: {  	[smem:$0x3FAE] =	sst s0  }
0x9: {  	[smem:$0x3FAF] =	sst s1  }
0xa: {  	[smem:$0x3FB0] =	sst s2  }
0xb: {  	[smem:$0x3FB1] =	sst s3  }
0xc: {  	[smem:$0x3FB2] =	sst s4  }
0xd: {  	[smem:$0x3FB3] =	sst s5  }
0xe: {  	[smem:$0x3FB4] =	sst s6  }
0xf: {  	[smem:$0x3FB5] =	sst s7  }
0x10: {  	[smem:$0x3FB6] =	sst s8  }
0x11: {  	[smem:$0x3FB7] =	sst s9;
	s0 =	simm.s32 @!p0 $0x0  }
0x12: {  	s1 =	sld [smem:$0x3F9D];
	s0 =	simm.s32 @p0 $0x1  }
0x13: {  	[smem:$0x3FB8] =	sst s0;
	s0 =	simm.s32 @!p1 $0x0  }
0x14: {  	s2 =	sld [smem:$0x3F9C];
	s0 =	simm.s32 @p1 $0x1  }
0x15: {  	[smem:$0x3FB9] =	sst s0;
	s0 =	simm.s32 @!p2 $0x0  }
0x16: {  	s3 =	sld [smem:$0x3FDB];
	s0 =	simm.s32 @p2 $0x1  }
0x17: {  	s4 =	simm.s32 $0x1BF5;
	[smem:$0x3FBB] =	sst s0  }
0x18: {  	s0 =	sld [smem:$0x3F9E];
	_ =	swait.ge [sflag:s4], $0x0  }
0x19: {  	s7 =	sld [smem:$0x3F9F]  }
0x1a: {  	s8 =	sadd.s32 $0xFFFFE003, lr  }
0x1b: {  	s9 =	sadd.s32 $0xFFFFFEF7, lr;
	s5 =	simm.s32 $0xFFFFFFFF;
	p2 =	slt.u32 s8, $0xFFFFF086  }
0x1c: {  	p1 =	slt.u32 s9, $0xF7A;
	s5 =	simm.s32 @!p2 $0x0  }
0x1d: {  	s5 =	simm.s32 @p1 $0x1;
	p0 =	seq.s32 s7, s2  }
0x1e: {  	s7 =	smul.u32 @!p0 $0xF7A, s2;
	p2 =	seq.s32 @!p0 s5, $0x0  }
0x1f: {  	s9 =	smul.u32 $0xF7A, s1;
	s8 =	simm.s32 @!p0 $0x1BF5;
	p2 =	por !p2, p0  }
0x20: {  	[sflag:s8] =	ssyncset.s32 @!p0 $0xFFFFF086;
	s6 =	sadd.s32 @!p0 s3, s7;
	s7 =	simm.s32 @!p0 $0x108  }
0x21: {  	s3 =	sadd.s32 s3, s9;
	s6 =	sadd.s32 @!p0 $0x88, s6;
	s7 =	simm.s32 @p2 $0x1082  }
0x22: {  	[simem:s7], [sflag:s8] =	dma.local @!p0 [hbm:s6], $0xF7A  }
0x23: {  	s9 =	sor.u32 $0xD0000000, s2;
	s6 =	simm.s32 $0x108;
	_ =	swait.ge @!p0 [sflag:s8], $0x0  }
0x24: {  	s3 =	sadd.s32 $0x88, s3;
	s6 =	simm.s32 @!p1 $0x1082;
	[sflag:s4] =	ssyncset.s32 $0xFFFFF086  }
0x25: {  	[simem:s6], [sflag:s4] =	dma.local [hbm:s3], $0xF7A  }
0x26: {  	[smem:$0x3F9F] =	sst s1;
	(tag) =	ssettag s2;
	_ =	strace s9  }
0x27: {  	s1 =	sld [smem:$0x3FAF]  }
0x28: {  	s2 =	sld [smem:$0x3FB0]  }
0x29: {  	s4 =	sld [smem:$0x3FB2]  }
0x2a: {  	p0 =	seq.s32 s5, $0x0;
	s5 =	sld [smem:$0x3FB3]  }
0x2b: {  	s6 =	sld [smem:$0x3FB4]  }
0x2c: {  	s7 =	sld [smem:$0x3FB5]  }
0x2d: {  	s3 =	simm.s32 $0x108;
	s8 =	sld [smem:$0x3FB6]  }
0x2e: {  	s3 =	simm.s32 @!p0 $0x1082;
	s9 =	sld [smem:$0x3FB7]  }
0x2f: {  	lr =	sadd.s32 s0, s3;
	s0 =	sld [smem:$0x3FAE]  }
0x30: {  	s3 =	sld [smem:$0x3FB1]  }
0x31: {  	[smem:$0x3FBA] =	sst s10  }
0x32: {  	s10 =	sld [smem:$0x3FB8];
	_ =	sdelay $0x3  }
0x33: {  	p0 =	seq.s32 s10, $0x1;
	s10 =	sld [smem:$0x3FBA];
	_ =	sdelay $0x3  }
0x34: {  	[smem:$0x3FBA] =	sst s10  }
0x35: {  	s10 =	sld [smem:$0x3FB9];
	_ =	sdelay $0x3  }
0x36: {  	p1 =	seq.s32 s10, $0x1;
	s10 =	sld [smem:$0x3FBA];
	_ =	sdelay $0x3  }
0x37: {  	[smem:$0x3FBA] =	sst s10  }
0x38: {  	s10 =	sld [smem:$0x3FBB]  }
0x39: {  	_ = 	snop;
	(pc) =	sbr.ind lr, $3  }
0x3a: {  	_ = 	snop  }
0x3b: {  	_ = 	snop  }
0x3c: {  	p2 =	seq.s32 s10, $0x1;
	s10 =	sld [smem:$0x3FBA]  }
0x3d: {  	_ =	shalt  }
0x3e: {  	_ =	shalt  }
0x3f: {  	_ =	shalt  }
0x40: {  	_ =	shalt  }
0x41: {  	_ =	shalt  }
0x42: {  	_ =	shalt  }
0x43: {  	_ =	shalt  }
0x44: {  	_ =	shalt  }
0x45: {  	_ =	shalt  }
0x46: {  	_ =	shalt  }
0x47: {  	_ =	shalt  }
0x48: {  	_ =	shalt  }
0x49: {  	_ =	shalt  }
0x4a: {  	_ =	shalt  }
0x4b: {  	_ =	shalt  }
0x4c: {  	_ =	shalt  }
0x4d: {  	_ =	shalt  }
0x4e: {  	_ =	shalt  }
0x4f: {  	_ =	shalt  }
0x50: {  	_ =	shalt  }
0x51: {  	_ =	shalt  }
0x52: {  	_ =	shalt  }
0x53: {  	_ =	shalt  }
0x54: {  	_ =	shalt  }
0x55: {  	_ =	shalt  }
0x56: {  	_ =	shalt  }
0x57: {  	_ =	shalt  }
0x58: {  	_ =	shalt  }
0x59: {  	_ =	shalt  }
0x5a: {  	_ =	shalt  }
0x5b: {  	_ =	shalt  }
0x5c: {  	_ =	shalt  }
0x5d: {  	_ =	shalt  }
0x5e: {  	_ =	shalt  }
0x5f: {  	_ =	shalt  }
0x60: {  	_ =	shalt  }
0x61: {  	_ =	shalt  }
0x62: {  	_ =	shalt  }
0x63: {  	_ =	shalt  }
0x64: {  	_ =	shalt  }
0x65: {  	_ =	shalt  }
0x66: {  	_ =	shalt  }
0x67: {  	_ =	shalt  }
0x68: {  	_ =	shalt  }
0x69: {  	_ =	shalt  }
0x6a: {  	_ =	shalt  }
0x6b: {  	_ =	shalt  }
0x6c: {  	_ =	shalt  }
0x6d: {  	_ =	shalt  }
0x6e: {  	_ =	shalt  }
0x6f: {  	_ =	shalt  }
0x70: {  	_ =	shalt  }
0x71: {  	_ =	shalt  }
0x72: {  	_ =	shalt  }
0x73: {  	_ =	shalt  }
0x74: {  	_ =	shalt  }
0x75: {  	_ =	shalt  }
0x76: {  	_ =	shalt  }
0x77: {  	_ =	shalt  }
0x78: {  	_ =	shalt  }
0x79: {  	_ =	shalt  }
0x7a: {  	_ =	shalt  }
0x7b: {  	_ =	shalt  }
0x7c: {  	_ =	shalt  }
0x7d: {  	_ =	shalt  }
0x7e: {  	_ =	shalt  }
0x7f: {  	_ =	shalt  }
0x80: {  	_ =	shalt  }
0x81: {  	_ =	shalt  }
0x82: {  	_ =	shalt  }
0x83: {  	_ =	shalt  }
0x84: {  	_ =	shalt  }
0x85: {  	_ =	shalt  }
0x86: {  	_ =	shalt  }
0x87: {  	_ =	shalt  }
.Lfunc_end0:
.L_simem_size_0:
called_computation_lowered:
.L_overlay_start_0:
0x88: {  	s2 =	sld [smem:$0x3FD9]  }
0x89: {  	s3 =	sld [smem:$0x3FFE];
	_ =	sdelay $0x1  }
0x8a: {  	s1 =	srdreg.scid  }
0x8b: {  	s0 =	sand.u32 $0x1, s1  }
0x8c: {  	s17 =	sshll.u32 s0, $0xA;
	s2 =	sadd.s32 s3, s2  }
0x8d: {  	s2 =	sadd.s32 s2, s17  }
0x8e: {  	[smem:$0x3FC6] =	sst s2  }
0x8f: {  	_ = 	snop  }
0x90: {  	s2 =	sld [smem:$0x3FC8]  }
0x91: {  	s18 =	sld [smem:$0x3FD0];
	(tm) =	ssettm $0x1  }
0x92: {  	s4 =	sld [smem:$0x3FFB];
	_ =	sdelay $0x3  }
0x93: {  	_ =	strace s4  }
0x94: {  	s4 =	sld [smem:$0x3FFC];
	_ =	sdelay $0x3  }
0x95: {  	_ =	strace s4  }
0x96: {  	s4 =	sld [smem:$0x3FFD];
	_ =	sdelay $0x3  }
0x97: {  	_ =	strace s4  }
0x98: {  	_ =	strace $0x8FFFFFFF  }
0x99: {  	s19 =	sld [smem:$0x3FDB];
	_ =	sdelay $0x1  }
0x9a: {  	s5 =	simm.s32 $_scs_section_size  }
0x9b: {  	s6 =	simm.s32 $_size__tile_overlayer_lowered;
	s7 =	simm.s32 $_tile_overlayer_lowered  }
0x9c: {  	s22 =	simm.s32 $0x1BFF;
	s21 =	sshll.u32 s7, $0x1;
	s4 =	sadd.s32 s5, s19  }
0x9d: {  	s8 =	simm.s32 $0x0;
	s20 =	sshll.u32 s6, $0x1;
	s6 =	sadd.s32 s21, s4  }
0x9e: {  	[timem:s8], [sflag:s22] =	dma.local [hbm:s6], s20  }
0x9f: {  	_ =	swait.ge [sflag:s22], s20  }
0xa0: {  	s5 =	ssub.s32 $0x0, s20;
	[sflag:s22] =	ssyncset.done $0x0  }
0xa1: {  	[sflag:s22] =	ssyncadd.s32 s5;
	_ =	sdelay $0x1  }
0xa2: {  	s23 =	simm.s32 $0x1B8B  }
0xa3: {  	_ =	swait.ge [sflag:s23], $0x1  }
0xa4: {  	[sflag:s23] =	ssyncset.done $0x0  }
0xa5: {  	s25 =	simm.s32 $0x1B8E;
	s24 =	sld [smem:$0x3FFE];
	[sflag:s23] =	ssyncadd.s32 $0xFFFFFFFF  }
0xa6: {  	s26 =	simm.s32 $execute0_lowered;
	[smem:$0x3FD2] =	sst s25  }
0xa7: {  	s6 =	sshll.u32 s26, $0x1;
	_ =	strace $0x80000046;
	[dreg:$0x1] =	wrdreg $0xFFFFFFFF  }
0xa8: {  	s28 =	simm.s32 $_size_execute0_lowered;
	s4 =	sadd.s32 s4, s6;
	[dreg:$0x0] =	wrdreg $0x0  }
0xa9: {  	s6 =	sshll.u32 s28, $0x1;
	[dreg:$0x2] =	wrdreg s4  }
0xaa: {  	[dreg:$0x3] =	wrdreg s6  }
0xab: {  	[dreg:$0x4] =	wrdreg $0xC0  }
0xac: {  	_ =	task [dreg:s8], $0x5FFFF  }
0xad: {  	[dreg:$0x1] =	wrdreg $0xFFFFFFFF  }
0xae: {  	[dreg:$0x0] =	wrdreg $0x60  }
0xaf: {  	[dreg:$0x2] =	wrdreg s24  }
0xb0: {  	[dreg:$0x3] =	wrdreg s2  }
0xb1: {  	[dreg:$0x4] =	wrdreg s18  }
0xb2: {  	[dreg:$0x5] =	wrdreg $0x9  }
0xb3: {  	_ =	task.clear_ibuf [dreg:s8], $0x6FFFF;
	_ =	strace $0x90000046  }
0xb4: {  	s29 =	simm.s32 $0x9;
	_ =	strace $0x80000048  }
0xb5: {  	_ =	swait.ge [sflag:s29], $0x1  }
0xb6: {  	[sflag:s29] =	ssyncadd.s32 $0xFFFFFFFF  }
0xb7: {  	_ =	strace $0x90000048  }
0xb8: {  	_ =	sfence  }
0xb9: {  	s30 =	sld [smem:$0x0];
	_ =	sdelay $0x2  }
0xba: {  	s31 =	sshll.u32 s1, $0xD;
	s1 =	sshrl.u32 s1, $0x2  }
0xbb: {  	s3 =	sand.u32 $0x4000, s31;
	s1 =	sadd.s32 s1, s30  }
0xbc: {  	s0 =	sor.u32 s3, s0;
	s1 =	sshll.u32 s1, $0x11  }
0xbd: {  	s0 =	sor.u32 s1, s0  }
0xbe: {  	s0 =	sadd.s32 $0x8F2B, s0  }
0xbf: {  	[sflag:s0] =	ssyncadd.remote.s32 $0x1  }
0xc0: {  	_ =	sfence.sel $0xFFFF  }
0xc1: {  	[dreg:$0x0] =	wrdreg $0xFFFFFFFF;
	(pc) =	sbr.abs _section_cstart, $3  }
0xc2: {  	[dreg:$0x1] =	wrdreg $0xFFFFFFFF  }
0xc3: {  	_ =	task.clear_ibuf [dreg:s8], $0x2FFFF;
	_ =	strace $0x9FFFFFFF  }
0xc4: {  	(tm) =	ssettm $0x7FFFFFFF  }
0xc5: {  	_ =	shalt  }
tec
execute0_lowered:
.L_overlay_start_1:
0x0: {  	(tag) =	ssettag $0x1  }
0x1: {  	s0 =	rddreg [dreg:$0x0]  }
0x2: {  	s2 =	rddreg [dreg:$0x1];
	s1 =	srdreg.scid  }
0x3: {  	s14 =	stileid.u32;
	s3 =	rddreg [dreg:$0x2]  }
0x4: {  	s28 =	simm.s32 $0xC800;
	s29 =	simm.s32 $0xD000;
	s30 =	simm.s32 $0xD800  }
0x5: {  	s31 =	simm.s32 $0x10800;
	s1 =	sand.u32 $0x1, s1;
	s4 =	sshll.u32 s14, $0x1  }
0x6: {  	s8 =	sadd.s32 $0xC00, s2;
	s9 =	sadd.s32 $0x1000, s2;
	s10 =	sadd.s32 $0x1400, s2  }
0x7: {  	s11 =	sadd.s32 $0x1800, s2;
	s5 =	sor.u32 s1, s4;
	s4 =	simm.s32 $0x0  }
0x8: {  	s7 =	ssub.s32 $0x2, s1;
	s6 =	sshll.u32 s5, $0xB;
	[smem:$0x7FF] =	sst s4  }
0x9: {  	s26 =	sshrl.u32 s7, $0x1;
	s5 =	sshll.u32 s5, $0x12;
	s0 =	sadd.s32 s6, s0  }
0xa: {  	_ =	strace $0x80000047;
	s13 =	ssub.s32 s7, s26;
	s0 =	sadd.s32 $0x400, s0  }
0xb: {  	s23 =	smax.u32 s13, $0x1;
	[dreg:$0x4] =	wrdreg s0;
	s0 =	sadd.s32 s5, s3  }
0xc: {  	s12 =	sadd.s32 $0x1C00, s2;
	[dreg:$0xe] =	wrdreg s23;
	s15 =	sadd.s32 $0x3A060, s0  }
0xd: {  	s24 =	sshll.u32 s14, $0x16;
	s16 =	sadd.s32 $0x3C000, s0;
	[dreg:$0x5] =	wrdreg s15  }
0xe: {  	s25 =	sshll.u32 s1, $0x15;
	s17 =	sadd.s32 $0x3C020, s0;
	[dreg:$0x6] =	wrdreg s16  }
0xf: {  	s1 =	sshll.u32 s1, $0x12;
	s18 =	sadd.s32 $0x3C040, s0;
	[dreg:$0x7] =	wrdreg s17  }
0x10: {  	s6 =	sadd.s32 $0x400, s2;
	s19 =	sadd.s32 $0x3C060, s0;
	[dreg:$0x8] =	wrdreg s18  }
0x11: {  	s7 =	sadd.s32 $0x800, s2;
	s20 =	sadd.s32 $0x3E000, s0;
	[dreg:$0x9] =	wrdreg s19  }
0x12: {  	s26 =	sshll.u32 s14, $0x13;
	s21 =	sadd.s32 $0x3E020, s0;
	[dreg:$0xa] =	wrdreg s20  }
0x13: {  	s14 =	simm.s32 $0x0;
	s22 =	sadd.s32 $0x3E040, s0;
	[dreg:$0xb] =	wrdreg s21  }
0x14: {  	s13 =	simm.s32 $0xE000;
	s0 =	sadd.s32 $0x3E060, s0;
	[dreg:$0xc] =	wrdreg s22  }
0x15: {  	s23 =	simm.s32 $0xF800;
	s5 =	simm.s32 $0x10000;
	[dreg:$0xd] =	wrdreg s0  }
0x16: {  	s0 =	sor.u32 s25, s24;
	s20 =	simm.s32 $0xC000;
	s17 =	simm.s32 $0xE800  }
0x17: {  	s22 =	simm.s32 $0xF000;
	s16 =	simm.s32 $0x14800;
	s24 =	simm.s32 $0x18000  }
0x18: {  	v0 =	vlaneseq.u32;
	s19 =	simm.s32 $0x18800;
	s21 =	simm.s32 $0x1C800;
	s18 =	simm.s32 $0x100  }
0x19: {  	v1 =	vshrl.u32 v0, $0x1;
	s25 =	simm.s32 $0x400;
	[dreg:$0xf] =	wrdreg s0;
	s0 =	sor.u32 s1, s26  }
0x1a: {  	vm0 =	vmmov $0xffff;
	v0 =	vand.u32 $0x1, v0;
	v1 =	vmul.u32 $0x8, v1;
	s1 =	simm.s32 $0x14000;
	s26 =	simm.s32 $0x1C000;
	[dreg:$0x10] =	wrdreg s0  }
.LBB2_1:
0x1b: {  	[dreg:$0x11] =	wrdreg s14  }
0x1c: {  	s0 =	rddreg [dreg:$0x4];
	s15 =	simm.s32 $0xF  }
0x1d: {  	[tilespmem:s4], [sflag:$0xF] =	stream.linear.gather [hbm4b:s0+s4], $0x4000, $0x38;
	v63 =	vld [tilespmem:$0x0]  }
0x1e: {  	_ =	swait.ge [sflag:s15], $0x4000  }
0x1f: {  	[sflag:s15] =	ssyncset.done $0x0  }
0x20: {  	[sflag:s15] =	ssyncadd.s32 $0xFFFFC000  }
0x21: {  	v2 =	vld.msk [tilespmem:$0x0], $0x3;
	_ =	sdelay $0x4  }
0x22: {  	v3 =	vshll.u32 v2, $0x6  }
0x23: {  	v2 =	vand.u32 $0x7, v2;
	v3 =	vand.u32 $0xFFFFFE00, v3  }
0x24: {  	v2 =	vor.u32 v2, v3  }
0x25: {  	v2 =	vperm.xlane v2, v0;
	_ =	sdelay $0x1  }
0x26: {  	v2 =	vadd.s32 v1, v2;
	_ =	sdelay $0x3  }
0x27: {  	s14 =	simm.s32 $0x4000  }
0x28: {  	[tilespmem:s14], [sflag:$0x1] =	stream.indirect_vreg.gather [hbm4b:s2+s4], $0x80, v2, vm0, $0xb8;
	v63 =	vld [tilespmem:$0x0]  }
0x29: {  	s15 =	simm.s32 $0x4800  }
0x2a: {  	[tilespmem:s15], [sflag:$0x1] =	stream.indirect_vreg.gather [hbm4b:s6+s4], $0x80, v2, vm0, $0xb8;
	v63 =	vld [tilespmem:$0x0]  }
0x2b: {  	s14 =	simm.s32 $0x5000  }
0x2c: {  	[tilespmem:s14], [sflag:$0x1] =	stream.indirect_vreg.gather [hbm4b:s7+s4], $0x80, v2, vm0, $0xb8;
	v63 =	vld [tilespmem:$0x0]  }
0x2d: {  	s15 =	simm.s32 $0x5800  }
0x2e: {  	[tilespmem:s15], [sflag:$0x1] =	stream.indirect_vreg.gather [hbm4b:s8+s4], $0x80, v2, vm0, $0xb8;
	v63 =	vld [tilespmem:$0x0]  }
0x2f: {  	s14 =	simm.s32 $0x6000  }
0x30: {  	[tilespmem:s14], [sflag:$0x1] =	stream.indirect_vreg.gather [hbm4b:s9+s4], $0x80, v2, vm0, $0xb8;
	v63 =	vld [tilespmem:$0x0]  }
0x31: {  	s15 =	simm.s32 $0x6800  }
0x32: {  	[tilespmem:s15], [sflag:$0x1] =	stream.indirect_vreg.gather [hbm4b:s10+s4], $0x80, v2, vm0, $0xb8;
	v63 =	vld [tilespmem:$0x0]  }
0x33: {  	s14 =	simm.s32 $0x7000  }
0x34: {  	[tilespmem:s14], [sflag:$0x1] =	stream.indirect_vreg.gather [hbm4b:s11+s4], $0x80, v2, vm0, $0xb8;
	v63 =	vld [tilespmem:$0x0]  }
0x35: {  	s15 =	simm.s32 $0x7800  }
0x36: {  	[tilespmem:s15], [sflag:$0x1] =	stream.indirect_vreg.gather [hbm4b:s12+s4], $0x80, v2, vm0, $0xb8;
	v63 =	vld [tilespmem:$0x0]  }
0x37: {  	v2 =	vld.msk [tilespmem:$0x80], $0x3;
	_ =	sdelay $0x4  }
0x38: {  	v3 =	vshll.u32 v2, $0x6  }
0x39: {  	v2 =	vand.u32 $0x7, v2;
	v3 =	vand.u32 $0xFFFFFE00, v3  }
0x3a: {  	v2 =	vor.u32 v2, v3  }
0x3b: {  	v2 =	vperm.xlane v2, v0;
	_ =	sdelay $0x1  }
0x3c: {  	v2 =	vadd.s32 v1, v2;
	_ =	sdelay $0x3  }
0x3d: {  	s14 =	simm.s32 $0x8000  }
0x3e: {  	[tilespmem:s14], [sflag:$0x2] =	stream.indirect_vreg.gather [hbm4b:s2+s4], $0x80, v2, vm0, $0xb8;
	v63 =	vld [tilespmem:$0x0]  }
0x3f: {  	s15 =	simm.s32 $0x8800  }
0x40: {  	[tilespmem:s15], [sflag:$0x2] =	stream.indirect_vreg.gather [hbm4b:s6+s4], $0x80, v2, vm0, $0xb8;
	v63 =	vld [tilespmem:$0x0]  }
0x41: {  	s14 =	simm.s32 $0x9000  }
0x42: {  	[tilespmem:s14], [sflag:$0x2] =	stream.indirect_vreg.gather [hbm4b:s7+s4], $0x80, v2, vm0, $0xb8;
	v63 =	vld [tilespmem:$0x0]  }
0x43: {  	s15 =	simm.s32 $0x9800  }
0x44: {  	[tilespmem:s15], [sflag:$0x2] =	stream.indirect_vreg.gather [hbm4b:s8+s4], $0x80, v2, vm0, $0xb8;
	v63 =	vld [tilespmem:$0x0]  }
0x45: {  	s14 =	simm.s32 $0xA000  }
0x46: {  	[tilespmem:s14], [sflag:$0x2] =	stream.indirect_vreg.gather [hbm4b:s9+s4], $0x80, v2, vm0, $0xb8;
	v63 =	vld [tilespmem:$0x0]  }
0x47: {  	s15 =	simm.s32 $0xA800  }
0x48: {  	[tilespmem:s15], [sflag:$0x2] =	stream.indirect_vreg.gather [hbm4b:s10+s4], $0x80, v2, vm0, $0xb8;
	v63 =	vld [tilespmem:$0x0]  }
0x49: {  	s14 =	simm.s32 $0xB000  }
0x4a: {  	[tilespmem:s14], [sflag:$0x2] =	stream.indirect_vreg.gather [hbm4b:s11+s4], $0x80, v2, vm0, $0xb8;
	v63 =	vld [tilespmem:$0x0]  }
0x4b: {  	s15 =	simm.s32 $0xB800  }
0x4c: {  	[tilespmem:s15], [sflag:$0x2] =	stream.indirect_vreg.gather [hbm4b:s12+s4], $0x80, v2, vm0, $0xb8;
	v63 =	vld [tilespmem:$0x0]  }
0x4d: {  	v2 =	vld.msk [tilespmem:$0x100], $0x3;
	_ =	sdelay $0x4  }
0x4e: {  	v3 =	vshll.u32 v2, $0x6  }
0x4f: {  	v2 =	vand.u32 $0x7, v2;
	v3 =	vand.u32 $0xFFFFFE00, v3  }
0x50: {  	v2 =	vor.u32 v2, v3  }
0x51: {  	v2 =	vperm.xlane v2, v0;
	_ =	sdelay $0x1  }
0x52: {  	v2 =	vadd.s32 v1, v2;
	_ =	sdelay $0x4  }
0x53: {  	[tilespmem:s20], [sflag:$0x3] =	stream.indirect_vreg.gather [hbm4b:s2+s4], $0x80, v2, vm0, $0xb8;
	v63 =	vld [tilespmem:$0x0]  }
0x54: {  	_ = 	snop  }
0x55: {  	[tilespmem:s28], [sflag:$0x3] =	stream.indirect_vreg.gather [hbm4b:s6+s4], $0x80, v2, vm0, $0xb8;
	v63 =	vld [tilespmem:$0x0]  }
0x56: {  	_ = 	snop  }
0x57: {  	[tilespmem:s29], [sflag:$0x3] =	stream.indirect_vreg.gather [hbm4b:s7+s4], $0x80, v2, vm0, $0xb8;
	v63 =	vld [tilespmem:$0x0]  }
0x58: {  	_ = 	snop  }
0x59: {  	[tilespmem:s30], [sflag:$0x3] =	stream.indirect_vreg.gather [hbm4b:s8+s4], $0x80, v2, vm0, $0xb8;
	v63 =	vld [tilespmem:$0x0]  }
0x5a: {  	_ = 	snop  }
0x5b: {  	[tilespmem:s13], [sflag:$0x3] =	stream.indirect_vreg.gather [hbm4b:s9+s4], $0x80, v2, vm0, $0xb8;
	v63 =	vld [tilespmem:$0x0]  }
0x5c: {  	_ = 	snop  }
0x5d: {  	[tilespmem:s17], [sflag:$0x3] =	stream.indirect_vreg.gather [hbm4b:s10+s4], $0x80, v2, vm0, $0xb8;
	v63 =	vld [tilespmem:$0x0]  }
0x5e: {  	_ = 	snop  }
0x5f: {  	[tilespmem:s22], [sflag:$0x3] =	stream.indirect_vreg.gather [hbm4b:s11+s4], $0x80, v2, vm0, $0xb8;
	v63 =	vld [tilespmem:$0x0]  }
0x60: {  	_ = 	snop  }
0x61: {  	[tilespmem:s23], [sflag:$0x3] =	stream.indirect_vreg.gather [hbm4b:s12+s4], $0x80, v2, vm0, $0xb8;
	v63 =	vld [tilespmem:$0x0]  }
0x62: {  	v2 =	vld.msk [tilespmem:$0x180], $0x3;
	_ =	sdelay $0x4  }
0x63: {  	v3 =	vshll.u32 v2, $0x6  }
0x64: {  	v2 =	vand.u32 $0x7, v2;
	v3 =	vand.u32 $0xFFFFFE00, v3  }
0x65: {  	v2 =	vor.u32 v2, v3  }
0x66: {  	v2 =	vperm.xlane v2, v0;
	_ =	sdelay $0x1  }
0x67: {  	v2 =	vadd.s32 v1, v2;
	_ =	sdelay $0x4  }
0x68: {  	[tilespmem:s5], [sflag:$0x4] =	stream.indirect_vreg.gather [hbm4b:s2+s4], $0x80, v2, vm0, $0xb8;
	v63 =	vld [tilespmem:$0x0]  }
0x69: {  	_ = 	snop  }
0x6a: {  	[tilespmem:s31], [sflag:$0x4] =	stream.indirect_vreg.gather [hbm4b:s6+s4], $0x80, v2, vm0, $0xb8;
	v63 =	vld [tilespmem:$0x0]  }
0x6b: {  	s20 =	simm.s32 $0x11000  }
0x6c: {  	[tilespmem:s20], [sflag:$0x4] =	stream.indirect_vreg.gather [hbm4b:s7+s4], $0x80, v2, vm0, $0xb8;
	v63 =	vld [tilespmem:$0x0]  }
0x6d: {  	s22 =	simm.s32 $0x11800  }
0x6e: {  	[tilespmem:s22], [sflag:$0x4] =	stream.indirect_vreg.gather [hbm4b:s8+s4], $0x80, v2, vm0, $0xb8;
	v63 =	vld [tilespmem:$0x0]  }
0x6f: {  	s23 =	simm.s32 $0x12000  }
0x70: {  	[tilespmem:s23], [sflag:$0x4] =	stream.indirect_vreg.gather [hbm4b:s9+s4], $0x80, v2, vm0, $0xb8;
	v63 =	vld [tilespmem:$0x0]  }
0x71: {  	s28 =	simm.s32 $0x12800  }
0x72: {  	[tilespmem:s28], [sflag:$0x4] =	stream.indirect_vreg.gather [hbm4b:s10+s4], $0x80, v2, vm0, $0xb8;
	v63 =	vld [tilespmem:$0x0]  }
0x73: {  	s29 =	simm.s32 $0x13000  }
0x74: {  	[tilespmem:s29], [sflag:$0x4] =	stream.indirect_vreg.gather [hbm4b:s11+s4], $0x80, v2, vm0, $0xb8;
	v63 =	vld [tilespmem:$0x0]  }
0x75: {  	s30 =	simm.s32 $0x13800  }
0x76: {  	[tilespmem:s30], [sflag:$0x4] =	stream.indirect_vreg.gather [hbm4b:s12+s4], $0x80, v2, vm0, $0xb8;
	v63 =	vld [tilespmem:$0x0]  }
0x77: {  	v2 =	vld.msk [tilespmem:$0x200], $0x3;
	_ =	sdelay $0x4  }
0x78: {  	v3 =	vshll.u32 v2, $0x6  }
0x79: {  	v2 =	vand.u32 $0x7, v2;
	v3 =	vand.u32 $0xFFFFFE00, v3  }
0x7a: {  	v2 =	vor.u32 v2, v3  }
0x7b: {  	v2 =	vperm.xlane v2, v0;
	_ =	sdelay $0x1  }
0x7c: {  	v2 =	vadd.s32 v1, v2;
	_ =	sdelay $0x4  }
0x7d: {  	[tilespmem:s1], [sflag:$0x5] =	stream.indirect_vreg.gather [hbm4b:s2+s4], $0x80, v2, vm0, $0xb8;
	v63 =	vld [tilespmem:$0x0]  }
0x7e: {  	_ = 	snop  }
0x7f: {  	[tilespmem:s16], [sflag:$0x5] =	stream.indirect_vreg.gather [hbm4b:s6+s4], $0x80, v2, vm0, $0xb8;
	v63 =	vld [tilespmem:$0x0]  }
0x80: {  	s31 =	simm.s32 $0x15000  }
0x81: {  	[tilespmem:s31], [sflag:$0x5] =	stream.indirect_vreg.gather [hbm4b:s7+s4], $0x80, v2, vm0, $0xb8;
	v63 =	vld [tilespmem:$0x0]  }
0x82: {  	s1 =	simm.s32 $0x15800  }
0x83: {  	[tilespmem:s1], [sflag:$0x5] =	stream.indirect_vreg.gather [hbm4b:s8+s4], $0x80, v2, vm0, $0xb8;
	v63 =	vld [tilespmem:$0x0]  }
0x84: {  	s5 =	simm.s32 $0x16000  }
0x85: {  	[tilespmem:s5], [sflag:$0x5] =	stream.indirect_vreg.gather [hbm4b:s9+s4], $0x80, v2, vm0, $0xb8;
	v63 =	vld [tilespmem:$0x0]  }
0x86: {  	s13 =	simm.s32 $0x16800  }
0x87: {  	[tilespmem:s13], [sflag:$0x5] =	stream.indirect_vreg.gather [hbm4b:s10+s4], $0x80, v2, vm0, $0xb8;
	v63 =	vld [tilespmem:$0x0]  }
0x88: {  	s14 =	simm.s32 $0x17000  }
0x89: {  	[tilespmem:s14], [sflag:$0x5] =	stream.indirect_vreg.gather [hbm4b:s11+s4], $0x80, v2, vm0, $0xb8;
	v63 =	vld [tilespmem:$0x0]  }
0x8a: {  	s15 =	simm.s32 $0x17800  }
0x8b: {  	[tilespmem:s15], [sflag:$0x5] =	stream.indirect_vreg.gather [hbm4b:s12+s4], $0x80, v2, vm0, $0xb8;
	v63 =	vld [tilespmem:$0x0]  }
0x8c: {  	v2 =	vld.msk [tilespmem:$0x280], $0x3;
	_ =	sdelay $0x4  }
0x8d: {  	v3 =	vshll.u32 v2, $0x6  }
0x8e: {  	v2 =	vand.u32 $0x7, v2;
	v3 =	vand.u32 $0xFFFFFE00, v3  }
0x8f: {  	v2 =	vor.u32 v2, v3  }
0x90: {  	v2 =	vperm.xlane v2, v0;
	_ =	sdelay $0x1  }
0x91: {  	v2 =	vadd.s32 v1, v2;
	_ =	sdelay $0x4  }
0x92: {  	[tilespmem:s24], [sflag:$0x6] =	stream.indirect_vreg.gather [hbm4b:s2+s4], $0x80, v2, vm0, $0xb8;
	v63 =	vld [tilespmem:$0x0]  }
0x93: {  	_ = 	snop  }
0x94: {  	[tilespmem:s19], [sflag:$0x6] =	stream.indirect_vreg.gather [hbm4b:s6+s4], $0x80, v2, vm0, $0xb8;
	v63 =	vld [tilespmem:$0x0]  }
0x95: {  	s16 =	simm.s32 $0x19000  }
0x96: {  	[tilespmem:s16], [sflag:$0x6] =	stream.indirect_vreg.gather [hbm4b:s7+s4], $0x80, v2, vm0, $0xb8;
	v63 =	vld [tilespmem:$0x0]  }
0x97: {  	s17 =	simm.s32 $0x19800  }
0x98: {  	[tilespmem:s17], [sflag:$0x6] =	stream.indirect_vreg.gather [hbm4b:s8+s4], $0x80, v2, vm0, $0xb8;
	v63 =	vld [tilespmem:$0x0]  }
0x99: {  	s19 =	simm.s32 $0x1A000  }
0x9a: {  	[tilespmem:s19], [sflag:$0x6] =	stream.indirect_vreg.gather [hbm4b:s9+s4], $0x80, v2, vm0, $0xb8;
	v63 =	vld [tilespmem:$0x0]  }
0x9b: {  	s20 =	simm.s32 $0x1A800  }
0x9c: {  	[tilespmem:s20], [sflag:$0x6] =	stream.indirect_vreg.gather [hbm4b:s10+s4], $0x80, v2, vm0, $0xb8;
	v63 =	vld [tilespmem:$0x0]  }
0x9d: {  	s22 =	simm.s32 $0x1B000  }
0x9e: {  	[tilespmem:s22], [sflag:$0x6] =	stream.indirect_vreg.gather [hbm4b:s11+s4], $0x80, v2, vm0, $0xb8;
	v63 =	vld [tilespmem:$0x0]  }
0x9f: {  	s23 =	simm.s32 $0x1B800  }
0xa0: {  	[tilespmem:s23], [sflag:$0x6] =	stream.indirect_vreg.gather [hbm4b:s12+s4], $0x80, v2, vm0, $0xb8;
	v63 =	vld [tilespmem:$0x0]  }
0xa1: {  	v2 =	vld.msk [tilespmem:$0x300], $0x3;
	_ =	sdelay $0x4  }
0xa2: {  	v3 =	vshll.u32 v2, $0x6  }
0xa3: {  	v2 =	vand.u32 $0x7, v2;
	v3 =	vand.u32 $0xFFFFFE00, v3  }
0xa4: {  	v2 =	vor.u32 v2, v3  }
0xa5: {  	v2 =	vperm.xlane v2, v0;
	_ =	sdelay $0x1  }
0xa6: {  	v2 =	vadd.s32 v1, v2;
	_ =	sdelay $0x4  }
0xa7: {  	[tilespmem:s26], [sflag:$0x7] =	stream.indirect_vreg.gather [hbm4b:s2+s4], $0x80, v2, vm0, $0xb8;
	v63 =	vld [tilespmem:$0x0]  }
0xa8: {  	_ = 	snop  }
0xa9: {  	[tilespmem:s21], [sflag:$0x7] =	stream.indirect_vreg.gather [hbm4b:s6+s4], $0x80, v2, vm0, $0xb8;
	v63 =	vld [tilespmem:$0x0]  }
0xaa: {  	s24 =	simm.s32 $0x1D000  }
0xab: {  	[tilespmem:s24], [sflag:$0x7] =	stream.indirect_vreg.gather [hbm4b:s7+s4], $0x80, v2, vm0, $0xb8;
	v63 =	vld [tilespmem:$0x0]  }
0xac: {  	s26 =	simm.s32 $0x1D800  }
0xad: {  	[tilespmem:s26], [sflag:$0x7] =	stream.indirect_vreg.gather [hbm4b:s8+s4], $0x80, v2, vm0, $0xb8;
	v63 =	vld [tilespmem:$0x0]  }
0xae: {  	s28 =	simm.s32 $0x1E000  }
0xaf: {  	[tilespmem:s28], [sflag:$0x7] =	stream.indirect_vreg.gather [hbm4b:s9+s4], $0x80, v2, vm0, $0xb8;
	v63 =	vld [tilespmem:$0x0]  }
0xb0: {  	s0 =	rddreg [dreg:$0xf];
	s29 =	simm.s32 $0x1E800;
	s30 =	simm.s32 $0x1F000  }
0xb1: {  	[tilespmem:s29], [sflag:$0x7] =	stream.indirect_vreg.gather [hbm4b:s10+s4], $0x80, v2, vm0, $0xb8;
	v63 =	vld [tilespmem:$0x0]  }
0xb2: {  	s31 =	simm.s32 $0x1F800;
	s13 =	simm.s32 $0xC0;
	s15 =	simm.s32 $0x3  }
0xb3: {  	[tilespmem:s30], [sflag:$0x7] =	stream.indirect_vreg.gather [hbm4b:s11+s4], $0x80, v2, vm0, $0xb8;
	v63 =	vld [tilespmem:$0x0]  }
0xb4: {  	s17 =	rddreg [dreg:$0x10];
	s22 =	simm.s32 $0x0;
	s23 =	simm.s32 $0x680  }
0xb5: {  	[tilespmem:s31], [sflag:$0x7] =	stream.indirect_vreg.gather [hbm4b:s12+s4], $0x80, v2, vm0, $0xb8;
	v63 =	vld [tilespmem:$0x0]  }
.LBB2_2:
0xb6: {  	s1 =	sand.u32 $0x7FFF0000, s0;
	s20 =	sand.u32 $0x300, s22  }
0xb7: {  	s5 =	simm.s32 $0x1;
	s21 =	sadd.s32 $0xFFFFFF60, s13;
	s16 =	simm.s32 $0x2  }
0xb8: {  	s28 =	sadd.s32 $0x800, s17;
	s29 =	simm.s32 $0x8000;
	s24 =	sadd.s32 $0xFFFFFF80, s13  }
0xb9: {  	s30 =	simm.s32 $0xC000;
	_ =	swait.ge [sflag:s5], $0x4000;
	s1 =	sor.u32 s20, s1  }
0xba: {  	s26 =	sadd.s32 $0xFFFFFFA0, s13;
	[sflag:s5] =	ssyncset.done $0x0;
	s1 =	sshrl.u32 s1, $0x3  }
0xbb: {  	[sflag:s5] =	ssyncadd.s32 $0xFFFFC000;
	s1 =	sadd.s32 s3, s1;
	s5 =	simm.s32 $0x4000  }
0xbc: {  	[hbm4b:s1+s18] =	stream.strided.scatter [tilespmem:s5], [sflag:$0x8], $0x4000, s25, s18, $0x38;
	v63 =	vld [tilespmem:$0x0]  }
0xbd: {  	s14 =	simm.s32 $0x4;
	s1 =	sand.u32 $0x60, s21;
	_ =	swait.ge [sflag:s16], $0x4000  }
0xbe: {  	s28 =	sand.u32 $0xFFFE000, s28;
	s1 =	sadd.s32 s3, s1;
	[sflag:s16] =	ssyncset.done $0x0  }
0xbf: {  	s31 =	simm.s32 $0x10000;
	s1 =	sadd.s32 s28, s1;
	[sflag:s16] =	ssyncadd.s32 $0xFFFFC000  }
0xc0: {  	[hbm4b:s1+s18] =	stream.strided.scatter [tilespmem:s29], [sflag:$0x9], $0x4000, s25, s18, $0x38;
	v63 =	vld [tilespmem:$0x0]  }
0xc1: {  	s28 =	sadd.s32 $0x1000, s17;
	s1 =	sand.u32 $0x60, s24;
	_ =	swait.ge [sflag:s15], $0x4000  }
0xc2: {  	s28 =	sand.u32 $0xFFFE000, s28;
	s1 =	sadd.s32 s3, s1;
	[sflag:s15] =	ssyncset.done $0x0  }
0xc3: {  	s19 =	simm.s32 $0x5;
	s1 =	sadd.s32 s28, s1;
	[sflag:s15] =	ssyncadd.s32 $0xFFFFC000  }
0xc4: {  	[hbm4b:s1+s18] =	stream.strided.scatter [tilespmem:s30], [sflag:$0xA], $0x4000, s25, s18, $0x38;
	v63 =	vld [tilespmem:$0x0]  }
0xc5: {  	s28 =	sadd.s32 $0x1800, s17;
	s1 =	sand.u32 $0x60, s26;
	_ =	swait.ge [sflag:s14], $0x4000  }
0xc6: {  	s28 =	sand.u32 $0xFFFE000, s28;
	s1 =	sadd.s32 s3, s1;
	[sflag:s14] =	ssyncset.done $0x0  }
0xc7: {  	s16 =	sadd.s32 $0x10000, s0;
	s1 =	sadd.s32 s28, s1;
	[sflag:s14] =	ssyncadd.s32 $0xFFFFC000  }
0xc8: {  	[hbm4b:s1+s18] =	stream.strided.scatter [tilespmem:s31], [sflag:$0xB], $0x4000, s25, s18, $0x38;
	v63 =	vld [tilespmem:$0x0]  }
0xc9: {  	s21 =	sadd.s32 $0x2800, s17;
	s24 =	sadd.s32 $0x3000, s17;
	s1 =	sand.u32 $0x7FFF0000, s16  }
0xca: {  	s16 =	simm.s32 $0x14000;
	_ =	swait.ge [sflag:s19], $0x4000;
	s1 =	sor.u32 s20, s1  }
0xcb: {  	s20 =	sadd.s32 $0xFFFFFFE0, s13;
	[sflag:s19] =	ssyncset.done $0x0;
	s1 =	sshrl.u32 s1, $0x3  }
0xcc: {  	[sflag:s19] =	ssyncadd.s32 $0xFFFFC000;
	s1 =	sadd.s32 s3, s1;
	s19 =	simm.s32 $0x6  }
0xcd: {  	[hbm4b:s1+s18] =	stream.strided.scatter [tilespmem:s16], [sflag:$0xC], $0x4000, s25, s18, $0x38;
	v63 =	vld [tilespmem:$0x0]  }
0xce: {  	s1 =	sand.u32 $0x60, s20;
	s20 =	sand.u32 $0xFFFE000, s21;
	_ =	swait.ge [sflag:s19], $0x4000  }
0xcf: {  	s21 =	simm.s32 $0x7;
	s1 =	sadd.s32 s3, s1;
	[sflag:s19] =	ssyncset.done $0x0  }
0xd0: {  	s1 =	sadd.s32 s20, s1;
	[sflag:s19] =	ssyncadd.s32 $0xFFFFC000;
	s19 =	simm.s32 $0x18000  }
0xd1: {  	[hbm4b:s1+s18] =	stream.strided.scatter [tilespmem:s19], [sflag:$0xD], $0x4000, s25, s18, $0x38;
	v63 =	vld [tilespmem:$0x0]  }
0xd2: {  	s26 =	sand.u32 $0x60, s13;
	s14 =	simm.s32 $0x8;
	_ =	swait.ge [sflag:s21], $0x4000  }
0xd3: {  	s20 =	sadd.s32 s3, s26;
	s1 =	sand.u32 $0xFFFE000, s24;
	[sflag:s21] =	ssyncset.done $0x0  }
0xd4: {  	s1 =	sadd.s32 s1, s20;
	[sflag:s21] =	ssyncadd.s32 $0xFFFFC000;
	s21 =	simm.s32 $0x1C000  }
0xd5: {  	[hbm4b:s1+s18] =	stream.strided.scatter [tilespmem:s21], [sflag:$0xE], $0x4000, s25, s18, $0x38;
	v63 =	vld [tilespmem:$0x0]  }
0xd6: {  	_ =	swait.ge [sflag:s14], $0x4000  }
0xd7: {  	[sflag:s14] =	ssyncset.done $0x0  }
0xd8: {  	[sflag:s14] =	ssyncadd.s32 $0xFFFFC000  }
0xd9: {  	v2 =	vld.msk [tilespmem:s23+$0xFFFFFD00], $0x3;
	_ =	sdelay $0x4  }
0xda: {  	v3 =	vshll.u32 v2, $0x6  }
0xdb: {  	v2 =	vand.u32 $0x7, v2;
	v3 =	vand.u32 $0xFFFFFE00, v3  }
0xdc: {  	v2 =	vor.u32 v2, v3  }
0xdd: {  	v2 =	vperm.xlane v2, v0;
	_ =	sdelay $0x1  }
0xde: {  	v2 =	vadd.s32 v1, v2;
	_ =	sdelay $0x4  }
0xdf: {  	[tilespmem:s5], [sflag:$0x1] =	stream.indirect_vreg.gather [hbm4b:s2+s4], $0x80, v2, vm0, $0xb8;
	v63 =	vld [tilespmem:$0x0]  }
0xe0: {  	s20 =	simm.s32 $0x4800  }
0xe1: {  	[tilespmem:s20], [sflag:$0x1] =	stream.indirect_vreg.gather [hbm4b:s6+s4], $0x80, v2, vm0, $0xb8;
	v63 =	vld [tilespmem:$0x0]  }
0xe2: {  	s24 =	simm.s32 $0x5000  }
0xe3: {  	[tilespmem:s24], [sflag:$0x1] =	stream.indirect_vreg.gather [hbm4b:s7+s4], $0x80, v2, vm0, $0xb8;
	v63 =	vld [tilespmem:$0x0]  }
0xe4: {  	s26 =	simm.s32 $0x5800  }
0xe5: {  	[tilespmem:s26], [sflag:$0x1] =	stream.indirect_vreg.gather [hbm4b:s8+s4], $0x80, v2, vm0, $0xb8;
	v63 =	vld [tilespmem:$0x0]  }
0xe6: {  	s5 =	simm.s32 $0x6000  }
0xe7: {  	[tilespmem:s5], [sflag:$0x1] =	stream.indirect_vreg.gather [hbm4b:s9+s4], $0x80, v2, vm0, $0xb8;
	v63 =	vld [tilespmem:$0x0]  }
0xe8: {  	s14 =	simm.s32 $0x6800  }
0xe9: {  	[tilespmem:s14], [sflag:$0x1] =	stream.indirect_vreg.gather [hbm4b:s10+s4], $0x80, v2, vm0, $0xb8;
	v63 =	vld [tilespmem:$0x0]  }
0xea: {  	s20 =	simm.s32 $0x7000  }
0xeb: {  	[tilespmem:s20], [sflag:$0x1] =	stream.indirect_vreg.gather [hbm4b:s11+s4], $0x80, v2, vm0, $0xb8;
	v63 =	vld [tilespmem:$0x0]  }
0xec: {  	s24 =	simm.s32 $0x7800;
	s26 =	simm.s32 $0x9  }
0xed: {  	[tilespmem:s24], [sflag:$0x1] =	stream.indirect_vreg.gather [hbm4b:s12+s4], $0x80, v2, vm0, $0xb8;
	v63 =	vld [tilespmem:$0x0]  }
0xee: {  	_ =	swait.ge [sflag:s26], $0x4000  }
0xef: {  	[sflag:s26] =	ssyncset.done $0x0  }
0xf0: {  	[sflag:s26] =	ssyncadd.s32 $0xFFFFC000  }
0xf1: {  	v2 =	vld.msk [tilespmem:s23+$0xFFFFFD80], $0x3;
	_ =	sdelay $0x4  }
0xf2: {  	v3 =	vshll.u32 v2, $0x6  }
0xf3: {  	v2 =	vand.u32 $0x7, v2;
	v3 =	vand.u32 $0xFFFFFE00, v3  }
0xf4: {  	v2 =	vor.u32 v2, v3  }
0xf5: {  	v2 =	vperm.xlane v2, v0;
	_ =	sdelay $0x1  }
0xf6: {  	v2 =	vadd.s32 v1, v2;
	_ =	sdelay $0x4  }
0xf7: {  	[tilespmem:s29], [sflag:$0x2] =	stream.indirect_vreg.gather [hbm4b:s2+s4], $0x80, v2, vm0, $0xb8;
	v63 =	vld [tilespmem:$0x0]  }
0xf8: {  	s5 =	simm.s32 $0x8800  }
0xf9: {  	[tilespmem:s5], [sflag:$0x2] =	stream.indirect_vreg.gather [hbm4b:s6+s4], $0x80, v2, vm0, $0xb8;
	v63 =	vld [tilespmem:$0x0]  }
0xfa: {  	s14 =	simm.s32 $0x9000  }
0xfb: {  	[tilespmem:s14], [sflag:$0x2] =	stream.indirect_vreg.gather [hbm4b:s7+s4], $0x80, v2, vm0, $0xb8;
	v63 =	vld [tilespmem:$0x0]  }
0xfc: {  	s20 =	simm.s32 $0x9800  }
0xfd: {  	[tilespmem:s20], [sflag:$0x2] =	stream.indirect_vreg.gather [hbm4b:s8+s4], $0x80, v2, vm0, $0xb8;
	v63 =	vld [tilespmem:$0x0]  }
0xfe: {  	s24 =	simm.s32 $0xA000  }
0xff: {  	[tilespmem:s24], [sflag:$0x2] =	stream.indirect_vreg.gather [hbm4b:s9+s4], $0x80, v2, vm0, $0xb8;
	v63 =	vld [tilespmem:$0x0]  }
0x100: {  	s26 =	simm.s32 $0xA800  }
0x101: {  	[tilespmem:s26], [sflag:$0x2] =	stream.indirect_vreg.gather [hbm4b:s10+s4], $0x80, v2, vm0, $0xb8;
	v63 =	vld [tilespmem:$0x0]  }
0x102: {  	s5 =	simm.s32 $0xB000  }
0x103: {  	[tilespmem:s5], [sflag:$0x2] =	stream.indirect_vreg.gather [hbm4b:s11+s4], $0x80, v2, vm0, $0xb8;
	v63 =	vld [tilespmem:$0x0]  }
0x104: {  	s14 =	simm.s32 $0xB800;
	s20 =	simm.s32 $0xA  }
0x105: {  	[tilespmem:s14], [sflag:$0x2] =	stream.indirect_vreg.gather [hbm4b:s12+s4], $0x80, v2, vm0, $0xb8;
	v63 =	vld [tilespmem:$0x0]  }
0x106: {  	_ =	swait.ge [sflag:s20], $0x4000  }
0x107: {  	[sflag:s20] =	ssyncset.done $0x0  }
0x108: {  	[sflag:s20] =	ssyncadd.s32 $0xFFFFC000  }
0x109: {  	v2 =	vld.msk [tilespmem:s23+$0xFFFFFE00], $0x3;
	_ =	sdelay $0x4  }
0x10a: {  	v3 =	vshll.u32 v2, $0x6  }
0x10b: {  	v2 =	vand.u32 $0x7, v2;
	v3 =	vand.u32 $0xFFFFFE00, v3  }
0x10c: {  	v2 =	vor.u32 v2, v3  }
0x10d: {  	v2 =	vperm.xlane v2, v0;
	_ =	sdelay $0x1  }
0x10e: {  	v2 =	vadd.s32 v1, v2;
	_ =	sdelay $0x4  }
0x10f: {  	[tilespmem:s30], [sflag:$0x3] =	stream.indirect_vreg.gather [hbm4b:s2+s4], $0x80, v2, vm0, $0xb8;
	v63 =	vld [tilespmem:$0x0]  }
0x110: {  	s28 =	simm.s32 $0xC800  }
0x111: {  	[tilespmem:s28], [sflag:$0x3] =	stream.indirect_vreg.gather [hbm4b:s6+s4], $0x80, v2, vm0, $0xb8;
	v63 =	vld [tilespmem:$0x0]  }
0x112: {  	s29 =	simm.s32 $0xD000  }
0x113: {  	[tilespmem:s29], [sflag:$0x3] =	stream.indirect_vreg.gather [hbm4b:s7+s4], $0x80, v2, vm0, $0xb8;
	v63 =	vld [tilespmem:$0x0]  }
0x114: {  	s30 =	simm.s32 $0xD800  }
0x115: {  	[tilespmem:s30], [sflag:$0x3] =	stream.indirect_vreg.gather [hbm4b:s8+s4], $0x80, v2, vm0, $0xb8;
	v63 =	vld [tilespmem:$0x0]  }
0x116: {  	s24 =	simm.s32 $0xE000  }
0x117: {  	[tilespmem:s24], [sflag:$0x3] =	stream.indirect_vreg.gather [hbm4b:s9+s4], $0x80, v2, vm0, $0xb8;
	v63 =	vld [tilespmem:$0x0]  }
0x118: {  	s26 =	simm.s32 $0xE800  }
0x119: {  	[tilespmem:s26], [sflag:$0x3] =	stream.indirect_vreg.gather [hbm4b:s10+s4], $0x80, v2, vm0, $0xb8;
	v63 =	vld [tilespmem:$0x0]  }
0x11a: {  	s5 =	simm.s32 $0xF000  }
0x11b: {  	[tilespmem:s5], [sflag:$0x3] =	stream.indirect_vreg.gather [hbm4b:s11+s4], $0x80, v2, vm0, $0xb8;
	v63 =	vld [tilespmem:$0x0]  }
0x11c: {  	s14 =	simm.s32 $0xF800;
	s24 =	simm.s32 $0xB  }
0x11d: {  	[tilespmem:s14], [sflag:$0x3] =	stream.indirect_vreg.gather [hbm4b:s12+s4], $0x80, v2, vm0, $0xb8;
	v63 =	vld [tilespmem:$0x0]  }
0x11e: {  	_ =	swait.ge [sflag:s24], $0x4000  }
0x11f: {  	[sflag:s24] =	ssyncset.done $0x0  }
0x120: {  	[sflag:s24] =	ssyncadd.s32 $0xFFFFC000  }
0x121: {  	v2 =	vld.msk [tilespmem:s23+$0xFFFFFE80], $0x3;
	_ =	sdelay $0x4  }
0x122: {  	v3 =	vshll.u32 v2, $0x6  }
0x123: {  	v2 =	vand.u32 $0x7, v2;
	v3 =	vand.u32 $0xFFFFFE00, v3  }
0x124: {  	v2 =	vor.u32 v2, v3  }
0x125: {  	v2 =	vperm.xlane v2, v0;
	_ =	sdelay $0x1  }
0x126: {  	v2 =	vadd.s32 v1, v2;
	_ =	sdelay $0x4  }
0x127: {  	[tilespmem:s31], [sflag:$0x4] =	stream.indirect_vreg.gather [hbm4b:s2+s4], $0x80, v2, vm0, $0xb8;
	v63 =	vld [tilespmem:$0x0]  }
0x128: {  	s31 =	simm.s32 $0x10800  }
0x129: {  	[tilespmem:s31], [sflag:$0x4] =	stream.indirect_vreg.gather [hbm4b:s6+s4], $0x80, v2, vm0, $0xb8;
	v63 =	vld [tilespmem:$0x0]  }
0x12a: {  	s26 =	simm.s32 $0x11000  }
0x12b: {  	[tilespmem:s26], [sflag:$0x4] =	stream.indirect_vreg.gather [hbm4b:s7+s4], $0x80, v2, vm0, $0xb8;
	v63 =	vld [tilespmem:$0x0]  }
0x12c: {  	s14 =	simm.s32 $0x11800  }
0x12d: {  	[tilespmem:s14], [sflag:$0x4] =	stream.indirect_vreg.gather [hbm4b:s8+s4], $0x80, v2, vm0, $0xb8;
	v63 =	vld [tilespmem:$0x0]  }
0x12e: {  	s24 =	simm.s32 $0x12000  }
0x12f: {  	[tilespmem:s24], [sflag:$0x4] =	stream.indirect_vreg.gather [hbm4b:s9+s4], $0x80, v2, vm0, $0xb8;
	v63 =	vld [tilespmem:$0x0]  }
0x130: {  	s26 =	simm.s32 $0x12800  }
0x131: {  	[tilespmem:s26], [sflag:$0x4] =	stream.indirect_vreg.gather [hbm4b:s10+s4], $0x80, v2, vm0, $0xb8;
	v63 =	vld [tilespmem:$0x0]  }
0x132: {  	s14 =	simm.s32 $0x13000  }
0x133: {  	[tilespmem:s14], [sflag:$0x4] =	stream.indirect_vreg.gather [hbm4b:s11+s4], $0x80, v2, vm0, $0xb8;
	v63 =	vld [tilespmem:$0x0]  }
0x134: {  	s24 =	simm.s32 $0x13800;
	s26 =	simm.s32 $0xC  }
0x135: {  	[tilespmem:s24], [sflag:$0x4] =	stream.indirect_vreg.gather [hbm4b:s12+s4], $0x80, v2, vm0, $0xb8;
	v63 =	vld [tilespmem:$0x0]  }
0x136: {  	_ =	swait.ge [sflag:s26], $0x4000  }
0x137: {  	[sflag:s26] =	ssyncset.done $0x0  }
0x138: {  	[sflag:s26] =	ssyncadd.s32 $0xFFFFC000  }
0x139: {  	v2 =	vld.msk [tilespmem:s23+$0xFFFFFF00], $0x3;
	_ =	sdelay $0x4  }
0x13a: {  	v3 =	vshll.u32 v2, $0x6  }
0x13b: {  	v2 =	vand.u32 $0x7, v2;
	v3 =	vand.u32 $0xFFFFFE00, v3  }
0x13c: {  	v2 =	vor.u32 v2, v3  }
0x13d: {  	v2 =	vperm.xlane v2, v0;
	_ =	sdelay $0x1  }
0x13e: {  	v2 =	vadd.s32 v1, v2;
	_ =	sdelay $0x4  }
0x13f: {  	[tilespmem:s16], [sflag:$0x5] =	stream.indirect_vreg.gather [hbm4b:s2+s4], $0x80, v2, vm0, $0xb8;
	v63 =	vld [tilespmem:$0x0]  }
0x140: {  	s16 =	simm.s32 $0x14800  }
0x141: {  	[tilespmem:s16], [sflag:$0x5] =	stream.indirect_vreg.gather [hbm4b:s6+s4], $0x80, v2, vm0, $0xb8;
	v63 =	vld [tilespmem:$0x0]  }
0x142: {  	s24 =	simm.s32 $0x15000  }
0x143: {  	[tilespmem:s24], [sflag:$0x5] =	stream.indirect_vreg.gather [hbm4b:s7+s4], $0x80, v2, vm0, $0xb8;
	v63 =	vld [tilespmem:$0x0]  }
0x144: {  	s14 =	simm.s32 $0x15800  }
0x145: {  	[tilespmem:s14], [sflag:$0x5] =	stream.indirect_vreg.gather [hbm4b:s8+s4], $0x80, v2, vm0, $0xb8;
	v63 =	vld [tilespmem:$0x0]  }
0x146: {  	s26 =	simm.s32 $0x16000  }
0x147: {  	[tilespmem:s26], [sflag:$0x5] =	stream.indirect_vreg.gather [hbm4b:s9+s4], $0x80, v2, vm0, $0xb8;
	v63 =	vld [tilespmem:$0x0]  }
0x148: {  	s14 =	simm.s32 $0x16800  }
0x149: {  	[tilespmem:s14], [sflag:$0x5] =	stream.indirect_vreg.gather [hbm4b:s10+s4], $0x80, v2, vm0, $0xb8;
	v63 =	vld [tilespmem:$0x0]  }
0x14a: {  	s26 =	simm.s32 $0x17000  }
0x14b: {  	[tilespmem:s26], [sflag:$0x5] =	stream.indirect_vreg.gather [hbm4b:s11+s4], $0x80, v2, vm0, $0xb8;
	v63 =	vld [tilespmem:$0x0]  }
0x14c: {  	s14 =	simm.s32 $0x17800;
	s26 =	simm.s32 $0xD  }
0x14d: {  	[tilespmem:s14], [sflag:$0x5] =	stream.indirect_vreg.gather [hbm4b:s12+s4], $0x80, v2, vm0, $0xb8;
	v63 =	vld [tilespmem:$0x0]  }
0x14e: {  	_ =	swait.ge [sflag:s26], $0x4000  }
0x14f: {  	[sflag:s26] =	ssyncset.done $0x0  }
0x150: {  	[sflag:s26] =	ssyncadd.s32 $0xFFFFC000  }
0x151: {  	v2 =	vld.msk [tilespmem:s23+$0xFFFFFF80], $0x3;
	_ =	sdelay $0x4  }
0x152: {  	v3 =	vshll.u32 v2, $0x6  }
0x153: {  	v2 =	vand.u32 $0x7, v2;
	v3 =	vand.u32 $0xFFFFFE00, v3  }
0x154: {  	v2 =	vor.u32 v2, v3  }
0x155: {  	v2 =	vperm.xlane v2, v0;
	_ =	sdelay $0x1  }
0x156: {  	v2 =	vadd.s32 v1, v2;
	_ =	sdelay $0x4  }
0x157: {  	[tilespmem:s19], [sflag:$0x6] =	stream.indirect_vreg.gather [hbm4b:s2+s4], $0x80, v2, vm0, $0xb8;
	v63 =	vld [tilespmem:$0x0]  }
0x158: {  	s19 =	simm.s32 $0x18800  }
0x159: {  	[tilespmem:s19], [sflag:$0x6] =	stream.indirect_vreg.gather [hbm4b:s6+s4], $0x80, v2, vm0, $0xb8;
	v63 =	vld [tilespmem:$0x0]  }
0x15a: {  	s26 =	simm.s32 $0x19000  }
0x15b: {  	[tilespmem:s26], [sflag:$0x6] =	stream.indirect_vreg.gather [hbm4b:s7+s4], $0x80, v2, vm0, $0xb8;
	v63 =	vld [tilespmem:$0x0]  }
0x15c: {  	s14 =	simm.s32 $0x19800  }
0x15d: {  	[tilespmem:s14], [sflag:$0x6] =	stream.indirect_vreg.gather [hbm4b:s8+s4], $0x80, v2, vm0, $0xb8;
	v63 =	vld [tilespmem:$0x0]  }
0x15e: {  	s14 =	simm.s32 $0x1A000  }
0x15f: {  	[tilespmem:s14], [sflag:$0x6] =	stream.indirect_vreg.gather [hbm4b:s9+s4], $0x80, v2, vm0, $0xb8;
	v63 =	vld [tilespmem:$0x0]  }
0x160: {  	s14 =	simm.s32 $0x1A800  }
0x161: {  	[tilespmem:s14], [sflag:$0x6] =	stream.indirect_vreg.gather [hbm4b:s10+s4], $0x80, v2, vm0, $0xb8;
	v63 =	vld [tilespmem:$0x0]  }
0x162: {  	s14 =	simm.s32 $0x1B000  }
0x163: {  	[tilespmem:s14], [sflag:$0x6] =	stream.indirect_vreg.gather [hbm4b:s11+s4], $0x80, v2, vm0, $0xb8;
	v63 =	vld [tilespmem:$0x0]  }
0x164: {  	s14 =	simm.s32 $0x1B800  }
0x165: {  	[tilespmem:s14], [sflag:$0x6] =	stream.indirect_vreg.gather [hbm4b:s12+s4], $0x80, v2, vm0, $0xb8;
	v63 =	vld [tilespmem:$0x0]  }
0x166: {  	s14 =	simm.s32 $0xE  }
0x167: {  	_ =	swait.ge [sflag:s14], $0x4000  }
0x168: {  	[sflag:s14] =	ssyncset.done $0x0  }
0x169: {  	[sflag:s14] =	ssyncadd.s32 $0xFFFFC000  }
0x16a: {  	v2 =	vld.msk [tilespmem:s23+$0x0], $0x3;
	_ =	sdelay $0x4  }
0x16b: {  	v3 =	vshll.u32 v2, $0x6  }
0x16c: {  	v2 =	vand.u32 $0x7, v2;
	v3 =	vand.u32 $0xFFFFFE00, v3  }
0x16d: {  	v2 =	vor.u32 v2, v3  }
0x16e: {  	v2 =	vperm.xlane v2, v0;
	_ =	sdelay $0x1  }
0x16f: {  	v2 =	vadd.s32 v1, v2;
	_ =	sdelay $0x4  }
0x170: {  	[tilespmem:s21], [sflag:$0x7] =	stream.indirect_vreg.gather [hbm4b:s2+s4], $0x80, v2, vm0, $0xb8;
	v63 =	vld [tilespmem:$0x0]  }
0x171: {  	s21 =	simm.s32 $0x1C800  }
0x172: {  	[tilespmem:s21], [sflag:$0x7] =	stream.indirect_vreg.gather [hbm4b:s6+s4], $0x80, v2, vm0, $0xb8;
	v63 =	vld [tilespmem:$0x0]  }
0x173: {  	s14 =	smov.u32 s3;
	s3 =	simm.s32 $0x1D000  }
0x174: {  	[tilespmem:s3], [sflag:$0x7] =	stream.indirect_vreg.gather [hbm4b:s7+s4], $0x80, v2, vm0, $0xb8;
	v63 =	vld [tilespmem:$0x0]  }
0x175: {  	p0 =	sne.s32 s13, $0xEC0;
	s3 =	smov.u32 s14;
	s14 =	simm.s32 $0x1D800  }
0x176: {  	[tilespmem:s14], [sflag:$0x7] =	stream.indirect_vreg.gather [hbm4b:s8+s4], $0x80, v2, vm0, $0xb8;
	v63 =	vld [tilespmem:$0x0]  }
0x177: {  	s22 =	sadd.s32 $0x300, s22;
	s0 =	sadd.s32 $0x1C000, s0;
	s14 =	simm.s32 $0x1E000  }
0x178: {  	[tilespmem:s14], [sflag:$0x7] =	stream.indirect_vreg.gather [hbm4b:s9+s4], $0x80, v2, vm0, $0xb8;
	v63 =	vld [tilespmem:$0x0]  }
0x179: {  	s17 =	sadd.s32 $0x3800, s17;
	s13 =	sadd.s32 $0xE0, s13;
	s14 =	simm.s32 $0x1E800  }
0x17a: {  	[tilespmem:s14], [sflag:$0x7] =	stream.indirect_vreg.gather [hbm4b:s10+s4], $0x80, v2, vm0, $0xb8;
	v63 =	vld [tilespmem:$0x0]  }
.Ltmp0:
0x17b: {  	s1 =	simm.s32 $0x14000;
	s20 =	simm.s32 $0xC000;
	(pc) =	sbr.rel @p0 .LBB2_2-.Ltmp0, $4  }
0x17c: {  	s5 =	simm.s32 $0x10000;
	s24 =	simm.s32 $0x18000;
	s14 =	simm.s32 $0x1F000  }
0x17d: {  	[tilespmem:s14], [sflag:$0x7] =	stream.indirect_vreg.gather [hbm4b:s11+s4], $0x80, v2, vm0, $0xb8;
	v63 =	vld [tilespmem:$0x0]  }
0x17e: {  	s26 =	simm.s32 $0x1C000;
	s23 =	sadd.s32 $0x380, s23;
	s14 =	simm.s32 $0x1F800  }
0x17f: {  	[tilespmem:s14], [sflag:$0x7] =	stream.indirect_vreg.gather [hbm4b:s12+s4], $0x80, v2, vm0, $0xb8;
	v63 =	vld [tilespmem:$0x0]  }
0x180: {  	s23 =	simm.s32 $0x1  }
0x181: {  	_ =	swait.ge [sflag:s23], $0x4000  }
0x182: {  	s17 =	simm.s32 $0x4000;
	[sflag:s23] =	ssyncset.done $0x0  }
0x183: {  	s22 =	simm.s32 $0x2;
	s0 =	rddreg [dreg:$0x5];
	[sflag:s23] =	ssyncadd.s32 $0xFFFFC000  }
0x184: {  	[hbm4b:s0+s18] =	stream.strided.scatter [tilespmem:s17], [sflag:$0x8], $0x4000, s25, s18, $0x38;
	v63 =	vld [tilespmem:$0x0]  }
0x185: {  	_ =	swait.ge [sflag:s22], $0x4000  }
0x186: {  	[sflag:s22] =	ssyncset.done $0x0  }
0x187: {  	s13 =	simm.s32 $0x8000;
	s14 =	rddreg [dreg:$0x6];
	[sflag:s22] =	ssyncadd.s32 $0xFFFFC000  }
0x188: {  	[hbm4b:s14+s18] =	stream.strided.scatter [tilespmem:s13], [sflag:$0x9], $0x4000, s25, s18, $0x38;
	v63 =	vld [tilespmem:$0x0]  }
0x189: {  	_ =	swait.ge [sflag:s15], $0x4000  }
0x18a: {  	[sflag:s15] =	ssyncset.done $0x0  }
0x18b: {  	s14 =	simm.s32 $0x4;
	[sflag:s15] =	ssyncadd.s32 $0xFFFFC000;
	s15 =	rddreg [dreg:$0x7]  }
0x18c: {  	[hbm4b:s15+s18] =	stream.strided.scatter [tilespmem:s20], [sflag:$0xA], $0x4000, s25, s18, $0x38;
	v63 =	vld [tilespmem:$0x0]  }
0x18d: {  	_ =	swait.ge [sflag:s14], $0x4000  }
0x18e: {  	[sflag:s14] =	ssyncset.done $0x0  }
0x18f: {  	s15 =	rddreg [dreg:$0x8];
	[sflag:s14] =	ssyncadd.s32 $0xFFFFC000;
	s14 =	simm.s32 $0x5  }
0x190: {  	[hbm4b:s15+s18] =	stream.strided.scatter [tilespmem:s5], [sflag:$0xB], $0x4000, s25, s18, $0x38;
	v63 =	vld [tilespmem:$0x0]  }
0x191: {  	_ =	swait.ge [sflag:s14], $0x4000  }
0x192: {  	[sflag:s14] =	ssyncset.done $0x0  }
0x193: {  	s15 =	rddreg [dreg:$0x9];
	[sflag:s14] =	ssyncadd.s32 $0xFFFFC000;
	s14 =	simm.s32 $0x6  }
0x194: {  	[hbm4b:s15+s18] =	stream.strided.scatter [tilespmem:s1], [sflag:$0xC], $0x4000, s25, s18, $0x38;
	v63 =	vld [tilespmem:$0x0]  }
0x195: {  	_ =	swait.ge [sflag:s14], $0x4000  }
0x196: {  	[sflag:s14] =	ssyncset.done $0x0  }
0x197: {  	s15 =	rddreg [dreg:$0xa];
	[sflag:s14] =	ssyncadd.s32 $0xFFFFC000;
	s14 =	simm.s32 $0x7  }
0x198: {  	[hbm4b:s15+s18] =	stream.strided.scatter [tilespmem:s24], [sflag:$0xD], $0x4000, s25, s18, $0x38;
	v63 =	vld [tilespmem:$0x0]  }
0x199: {  	_ =	swait.ge [sflag:s14], $0x4000  }
0x19a: {  	[sflag:s14] =	ssyncset.done $0x0  }
0x19b: {  	s15 =	rddreg [dreg:$0xb];
	[sflag:s14] =	ssyncadd.s32 $0xFFFFC000  }
0x19c: {  	[hbm4b:s15+s18] =	stream.strided.scatter [tilespmem:s26], [sflag:$0xE], $0x4000, s25, s18, $0x38;
	v63 =	vld [tilespmem:$0x0]  }
0x19d: {  	s15 =	simm.s32 $0x8  }
0x19e: {  	_ =	swait.ge [sflag:s15], $0x4000  }
0x19f: {  	[sflag:s15] =	ssyncset.done $0x0  }
0x1a0: {  	[sflag:s15] =	ssyncadd.s32 $0xFFFFC000  }
0x1a1: {  	v2 =	vld.msk [tilespmem:$0x3F00], $0x3;
	_ =	sdelay $0x4  }
0x1a2: {  	v3 =	vshll.u32 v2, $0x6  }
0x1a3: {  	v2 =	vand.u32 $0x7, v2;
	v3 =	vand.u32 $0xFFFFFE00, v3  }
0x1a4: {  	v2 =	vor.u32 v2, v3  }
0x1a5: {  	v2 =	vperm.xlane v2, v0;
	_ =	sdelay $0x1  }
0x1a6: {  	v2 =	vadd.s32 v1, v2;
	_ =	sdelay $0x4  }
0x1a7: {  	[tilespmem:s17], [sflag:$0x1] =	stream.indirect_vreg.gather [hbm4b:s2+s4], $0x80, v2, vm0, $0xb8;
	v63 =	vld [tilespmem:$0x0]  }
0x1a8: {  	s14 =	simm.s32 $0x4800  }
0x1a9: {  	[tilespmem:s14], [sflag:$0x1] =	stream.indirect_vreg.gather [hbm4b:s6+s4], $0x80, v2, vm0, $0xb8;
	v63 =	vld [tilespmem:$0x0]  }
0x1aa: {  	s14 =	simm.s32 $0x5000  }
0x1ab: {  	[tilespmem:s14], [sflag:$0x1] =	stream.indirect_vreg.gather [hbm4b:s7+s4], $0x80, v2, vm0, $0xb8;
	v63 =	vld [tilespmem:$0x0]  }
0x1ac: {  	s14 =	simm.s32 $0x5800  }
0x1ad: {  	[tilespmem:s14], [sflag:$0x1] =	stream.indirect_vreg.gather [hbm4b:s8+s4], $0x80, v2, vm0, $0xb8;
	v63 =	vld [tilespmem:$0x0]  }
0x1ae: {  	s14 =	simm.s32 $0x6000  }
0x1af: {  	[tilespmem:s14], [sflag:$0x1] =	stream.indirect_vreg.gather [hbm4b:s9+s4], $0x80, v2, vm0, $0xb8;
	v63 =	vld [tilespmem:$0x0]  }
0x1b0: {  	s14 =	simm.s32 $0x6800  }
0x1b1: {  	[tilespmem:s14], [sflag:$0x1] =	stream.indirect_vreg.gather [hbm4b:s10+s4], $0x80, v2, vm0, $0xb8;
	v63 =	vld [tilespmem:$0x0]  }
0x1b2: {  	s14 =	simm.s32 $0x7000  }
0x1b3: {  	[tilespmem:s14], [sflag:$0x1] =	stream.indirect_vreg.gather [hbm4b:s11+s4], $0x80, v2, vm0, $0xb8;
	v63 =	vld [tilespmem:$0x0]  }
0x1b4: {  	s14 =	simm.s32 $0x7800  }
0x1b5: {  	[tilespmem:s14], [sflag:$0x1] =	stream.indirect_vreg.gather [hbm4b:s12+s4], $0x80, v2, vm0, $0xb8;
	v63 =	vld [tilespmem:$0x0]  }
0x1b6: {  	s14 =	simm.s32 $0x9  }
0x1b7: {  	_ =	swait.ge [sflag:s14], $0x4000  }
0x1b8: {  	[sflag:s14] =	ssyncset.done $0x0  }
0x1b9: {  	[sflag:s14] =	ssyncadd.s32 $0xFFFFC000  }
0x1ba: {  	v2 =	vld.msk [tilespmem:$0x3F80], $0x3;
	_ =	sdelay $0x4  }
0x1bb: {  	v3 =	vshll.u32 v2, $0x6  }
0x1bc: {  	v2 =	vand.u32 $0x7, v2;
	v3 =	vand.u32 $0xFFFFFE00, v3  }
0x1bd: {  	v2 =	vor.u32 v2, v3  }
0x1be: {  	v2 =	vperm.xlane v2, v0;
	_ =	sdelay $0x1  }
0x1bf: {  	v2 =	vadd.s32 v1, v2;
	_ =	sdelay $0x4  }
0x1c0: {  	[tilespmem:s13], [sflag:$0x2] =	stream.indirect_vreg.gather [hbm4b:s2+s4], $0x80, v2, vm0, $0xb8;
	v63 =	vld [tilespmem:$0x0]  }
0x1c1: {  	s0 =	simm.s32 $0x8800  }
0x1c2: {  	[tilespmem:s0], [sflag:$0x2] =	stream.indirect_vreg.gather [hbm4b:s6+s4], $0x80, v2, vm0, $0xb8;
	v63 =	vld [tilespmem:$0x0]  }
0x1c3: {  	s0 =	simm.s32 $0x9000  }
0x1c4: {  	[tilespmem:s0], [sflag:$0x2] =	stream.indirect_vreg.gather [hbm4b:s7+s4], $0x80, v2, vm0, $0xb8;
	v63 =	vld [tilespmem:$0x0]  }
0x1c5: {  	s0 =	simm.s32 $0x9800  }
0x1c6: {  	[tilespmem:s0], [sflag:$0x2] =	stream.indirect_vreg.gather [hbm4b:s8+s4], $0x80, v2, vm0, $0xb8;
	v63 =	vld [tilespmem:$0x0]  }
0x1c7: {  	s0 =	simm.s32 $0xA000  }
0x1c8: {  	[tilespmem:s0], [sflag:$0x2] =	stream.indirect_vreg.gather [hbm4b:s9+s4], $0x80, v2, vm0, $0xb8;
	v63 =	vld [tilespmem:$0x0]  }
0x1c9: {  	s0 =	simm.s32 $0xA800  }
0x1ca: {  	[tilespmem:s0], [sflag:$0x2] =	stream.indirect_vreg.gather [hbm4b:s10+s4], $0x80, v2, vm0, $0xb8;
	v63 =	vld [tilespmem:$0x0]  }
0x1cb: {  	s0 =	simm.s32 $0xB000  }
0x1cc: {  	[tilespmem:s0], [sflag:$0x2] =	stream.indirect_vreg.gather [hbm4b:s11+s4], $0x80, v2, vm0, $0xb8;
	v63 =	vld [tilespmem:$0x0]  }
0x1cd: {  	s0 =	simm.s32 $0xB800  }
0x1ce: {  	[tilespmem:s0], [sflag:$0x2] =	stream.indirect_vreg.gather [hbm4b:s12+s4], $0x80, v2, vm0, $0xb8;
	v63 =	vld [tilespmem:$0x0]  }
0x1cf: {  	_ =	swait.ge [sflag:s23], $0x4000  }
0x1d0: {  	[sflag:s23] =	ssyncset.done $0x0  }
0x1d1: {  	[sflag:s23] =	ssyncadd.s32 $0xFFFFC000;
	s23 =	rddreg [dreg:$0xc]  }
0x1d2: {  	[hbm4b:s23+s18] =	stream.strided.scatter [tilespmem:s17], [sflag:$0x8], $0x4000, s25, s18, $0x38;
	v63 =	vld [tilespmem:$0x0]  }
0x1d3: {  	_ =	swait.ge [sflag:s22], $0x4000  }
0x1d4: {  	[sflag:s22] =	ssyncset.done $0x0  }
0x1d5: {  	[sflag:s22] =	ssyncadd.s32 $0xFFFFC000;
	s22 =	rddreg [dreg:$0xd]  }
0x1d6: {  	[hbm4b:s22+s18] =	stream.strided.scatter [tilespmem:s13], [sflag:$0x9], $0x4000, s25, s18, $0x38;
	v63 =	vld [tilespmem:$0x0]  }
0x1d7: {  	_ =	swait.ge [sflag:s15], $0x4000  }
0x1d8: {  	[sflag:s15] =	ssyncset.done $0x0  }
0x1d9: {  	[sflag:s15] =	ssyncadd.s32 $0xFFFFC000  }
0x1da: {  	_ =	swait.ge [sflag:s14], $0x4000  }
0x1db: {  	[sflag:s14] =	ssyncset.done $0x0  }
0x1dc: {  	s23 =	simm.s32 $0xA;
	[sflag:s14] =	ssyncadd.s32 $0xFFFFC000  }
0x1dd: {  	_ =	swait.ge [sflag:s23], $0x4000  }
0x1de: {  	[sflag:s23] =	ssyncset.done $0x0  }
0x1df: {  	s13 =	simm.s32 $0xB;
	[sflag:s23] =	ssyncadd.s32 $0xFFFFC000  }
0x1e0: {  	_ =	swait.ge [sflag:s13], $0x4000  }
0x1e1: {  	[sflag:s13] =	ssyncset.done $0x0  }
0x1e2: {  	s14 =	simm.s32 $0xC;
	[sflag:s13] =	ssyncadd.s32 $0xFFFFC000  }
0x1e3: {  	_ =	swait.ge [sflag:s14], $0x4000  }
0x1e4: {  	[sflag:s14] =	ssyncset.done $0x0  }
0x1e5: {  	s15 =	simm.s32 $0xD;
	[sflag:s14] =	ssyncadd.s32 $0xFFFFC000  }
0x1e6: {  	_ =	swait.ge [sflag:s15], $0x4000  }
0x1e7: {  	[sflag:s15] =	ssyncset.done $0x0  }
0x1e8: {  	s17 =	simm.s32 $0xE;
	[sflag:s15] =	ssyncadd.s32 $0xFFFFC000  }
0x1e9: {  	_ =	swait.ge [sflag:s17], $0x4000  }
0x1ea: {  	s22 =	rddreg [dreg:$0x11]  }
0x1eb: {  	s23 =	rddreg [dreg:$0xe];
	s14 =	sadd.s32 $0x1, s22  }
0x1ec: {  	p0 =	sne.s32 s14, s23  }
.Ltmp1:
0x1ed: {  	_ = 	snop;
	(pc) =	sbr.rel @p0 .LBB2_1-.Ltmp1, $4  }
0x1ee: {  	_ = 	snop  }
0x1ef: {  	[sflag:s17] =	ssyncset.done $0x0  }
0x1f0: {  	s13 =	simm.s32 $0xE000;
	[sflag:s17] =	ssyncadd.s32 $0xFFFFC000  }
0x1f1: {  	s17 =	simm.s32 $0xE800;
	s22 =	simm.s32 $0xF000;
	s23 =	simm.s32 $0xF800  }
0x1f2: {  	_ =	sfence.sel $0x180000  }
0x1f3: {  	[bflag:$0x0] =	sbarrier.arrive $0xFFFF  }
0x1f4: {  	_ =	strace $0x90000047  }
0x1f5: {  	s0 =	stileid.u32;
	[bflag:$0x2] =	sbarrier.arrive $0xFFFF  }
0x1f6: {  	p0 =	sne.s32 s0, $0x0;
	s0 =	rddreg [dreg:$0x3]  }
0x1f7: {  	s0 =	sadd.s32 @!p0 $0x100000, s0  }
0x1f8: {  	[sflag:s0] =	ssyncadd.tile.s32 @!p0 $0x1;
	_ =	shalt  }
.Lfunc_end2:
_tile_overlayer_lowered:
.L_overlay_start_2:
0x1f9: {  	(tag) =	ssettag $0x2  }
0x1fa: {  	s0 =	rddreg [dreg:$0x0];
	s2 =	stileid.u32  }
0x1fb: {  	s1 =	rddreg [dreg:$0x1];
	p0 =	sne.s32 s2, $0x0  }
0x1fc: {  	s3 =	rddreg [dreg:$0x2];
	[bflag:$0x3] =	sbarrier.arrive $0xFFFF;
	s2 =	simm.s32 @!p0 $0x1C0F  }
0x1fd: {  	[timem:s3], [sflag:s2] =	dma.local @!p0 [hbm:s0], s1  }
0x1fe: {  	s0 =	simm.s32 @!p0 $0xF  }
0x1ff: {  	_ =	swait.ge @!p0 [sflag:s0], s1  }
0x200: {  	s1 =	ssub.s32 @!p0 $0x0, s1;
	[sflag:s0] =	ssyncset.done @!p0 $0x0  }
0x201: {  	[sflag:s0] =	ssyncadd.s32 @!p0 s1  }
0x202: {  	[bflag:$0x3] =	sbarrier.arrive $0xFFFF  }
0x203: {  	_ =	shalt  }

</sc_bundles>
